<compile_context>
chip_gen: v7x
topology: tpu7x:2x2x1
jax: 0.10.2.dev20260603
libtpu: 0.0.44.dev20260713+nightly
codegen_flags: <defaults>
</compile_context>

<pallas_src>
import functools

import jax
import jax.numpy as jnp
from jax import lax
from jax.experimental import pallas as pl
from jax.experimental.pallas import tpu as pltpu
from jax.experimental.pallas import tpu_sc as plsc

N_FACTORS = 32
N_ROWS = 1_000_000
BATCH = 16384
NC = 2
NS = 16
L = 16
NW = NC * NS
B_PER_W = BATCH // NW
N_CHUNK = B_PER_W // L

R_ELEMS = 4
N_ROUNDS = B_PER_W // R_ELEMS
HALF_ROUNDS = N_ROUNDS // 2
BLK_ROWS = R_ELEMS * N_FACTORS


def _sc_body(user_hbm, item_hbm, uft_hbm, itft_hbm, ub_hbm, ib_hbm, out_hbm,
             vidx_u, vidx_i, ublk, iblk, bblk_u, bblk_i, out_v,
             sem_a, sem_b, sem_s):
    wid = lax.axis_index("s") * NC + lax.axis_index("c")
    base = wid * B_PER_W
    lane = lax.iota(jnp.int32, L)
    zeros16 = jnp.zeros((L,), jnp.int32)
    zf16 = jnp.zeros((L,), jnp.float32)

    pltpu.sync_copy(user_hbm.at[pl.ds(base, B_PER_W)], vidx_u)
    pltpu.sync_copy(item_hbm.at[pl.ds(base, B_PER_W)], vidx_i)

    def zinit(c, carry):
        out_v[pl.ds(c * L, L)] = zf16
        return carry

    lax.fori_loop(0, N_CHUNK, zinit, 0)

    def fire(r, buf, sem):
        roff = buf * BLK_ROWS
        for el in range(R_ELEMS):
            e = r * R_ELEMS + el
            u = plsc.load_gather(vidx_u, [zeros16 + e])[0]
            i = plsc.load_gather(vidx_i, [zeros16 + e])[0]
            ua = pl.multiple_of((u >> 7) << 7, 128)
            ia = pl.multiple_of((i >> 7) << 7, 128)
            pltpu.make_async_copy(
                uft_hbm.at[:, pl.ds(ua, 128)],
                ublk.at[pl.ds(roff + el * N_FACTORS, N_FACTORS)], sem).start()
            pltpu.make_async_copy(
                itft_hbm.at[:, pl.ds(ia, 128)],
                iblk.at[pl.ds(roff + el * N_FACTORS, N_FACTORS)], sem).start()
            ub8 = pl.multiple_of((u >> 3) << 3, 8)
            ib8 = pl.multiple_of((i >> 3) << 3, 8)
            pltpu.make_async_copy(
                ub_hbm.at[pl.ds(ub8, 8)], bblk_u.at[pl.ds(e * 8, 8)],
                sem_s).start()
            pltpu.make_async_copy(
                ib_hbm.at[pl.ds(ib8, 8)], bblk_i.at[pl.ds(e * 8, 8)],
                sem_s).start()

    def drain(buf, sem):
        roff = buf * BLK_ROWS
        pltpu.make_async_copy(
            uft_hbm.at[:, pl.ds(0, 128 * R_ELEMS)],
            ublk.at[pl.ds(roff, BLK_ROWS)], sem).wait()
        pltpu.make_async_copy(
            uft_hbm.at[:, pl.ds(0, 128 * R_ELEMS)],
            iblk.at[pl.ds(roff, BLK_ROWS)], sem).wait()

    def extract(r, buf):
        roff = buf * BLK_ROWS
        c = r // (L // R_ELEMS)
        lbase = (r % (L // R_ELEMS)) * R_ELEMS
        contrib = zf16
        for el in range(R_ELEMS):
            e = r * R_ELEMS + el
            lu = plsc.load_gather(vidx_u, [zeros16 + e]) & 127
            li = plsc.load_gather(vidx_i, [zeros16 + e]) & 127
            rows = roff + el * N_FACTORS + lane
            p = (plsc.load_gather(ublk, [rows, lu]) *
                 plsc.load_gather(iblk, [rows, li]))
            p = p + (plsc.load_gather(ublk, [rows + L, lu]) *
                     plsc.load_gather(iblk, [rows + L, li]))
            s = lax.reduce_sum_p.bind(p, axes=(0,))
            contrib = jnp.where(lane == lbase + el, s, contrib)
        sl = pl.ds(c * L, L)
        out_v[sl] = out_v[sl] + contrib

    fire(0, 0, sem_a)

    def steady(rp, carry):
        ra = 2 * rp
        rb = 2 * rp + 1
        fire(rb, 1, sem_b)
        drain(0, sem_a)
        extract(ra, 0)

        @pl.when(rp < HALF_ROUNDS - 1)
        def _():
            fire(ra + 2, 0, sem_a)

        drain(1, sem_b)
        extract(rb, 1)
        return carry

    lax.fori_loop(0, HALF_ROUNDS, steady, 0)

    pltpu.make_async_copy(ub_hbm.at[pl.ds(0, B_PER_W * 8)], bblk_u,
                          sem_s).wait()
    pltpu.make_async_copy(ub_hbm.at[pl.ds(0, B_PER_W * 8)], bblk_i,
                          sem_s).wait()

    def badd(c, carry):
        sl = pl.ds(c * L, L)
        eb = (c * L + lane) * 8
        bu = plsc.load_gather(bblk_u, [eb + (vidx_u[sl] & 7)])
        bi = plsc.load_gather(bblk_i, [eb + (vidx_i[sl] & 7)])
        out_v[sl] = out_v[sl] + bu + bi
        return carry

    lax.fori_loop(0, N_CHUNK, badd, 0)

    pltpu.sync_copy(out_v, out_hbm.at[pl.ds(base, B_PER_W)])


@jax.jit
def _predict(user, item, user_factors, item_factors, user_biases, item_biases):
    run = pl.kernel(
        _sc_body,
        out_type=jax.ShapeDtypeStruct((BATCH,), jnp.float32),
        mesh=plsc.VectorSubcoreMesh(core_axis_name="c", subcore_axis_name="s"),
        compiler_params=pltpu.CompilerParams(needs_layout_passes=False),
        scratch_types=[
            pltpu.VMEM((B_PER_W,), jnp.int32),
            pltpu.VMEM((B_PER_W,), jnp.int32),
            pltpu.VMEM((2 * BLK_ROWS, 128), jnp.float32),
            pltpu.VMEM((2 * BLK_ROWS, 128), jnp.float32),
            pltpu.VMEM((B_PER_W * 8,), jnp.float32),
            pltpu.VMEM((B_PER_W * 8,), jnp.float32),
            pltpu.VMEM((B_PER_W,), jnp.float32),
            pltpu.SemaphoreType.DMA,
            pltpu.SemaphoreType.DMA,
            pltpu.SemaphoreType.DMA,
        ],
    )
    return run(user, item, user_factors.T, item_factors.T,
               user_biases.reshape(-1), item_biases.reshape(-1))


def kernel(user, item, user_factors, item_factors, user_biases, item_biases):
    return _predict(user, item, user_factors, item_factors,
                    user_biases, item_biases)

# --- scband reference (transcript-rebuilt; emitter-appended) ---
"""Pipeline reference for scband-model-68247030334198 (READ-ONLY COPY).

The authoritative reference and input builder live on the scoring server;
editing this copy changes nothing except your own understanding.
"""

import jax, jax.numpy as jnp
import numpy as np

N_USERS = 1000000
N_ITEMS = 1000000
N_FACTORS = 32
BATCH = 16384

def _xavier_uniform(key, shape):
    fan_in, fan_out = shape[1], shape[0]
    limit = float(np.sqrt(6.0 / (fan_in + fan_out)))
    return jax.random.uniform(key, shape, dtype=jnp.float32, minval=-limit, maxval=limit)

def setup_inputs(seed: int = 0) -> dict:
    key = jax.random.key(seed)
    k_user, k_item, k_uf, k_if = jax.random.split(key, 4)
    user = jax.random.randint(k_user, (BATCH,), 0, N_USERS, dtype=jnp.int64 if jax.config.jax_enable_x64 else jnp.int32)
    item = jax.random.randint(k_item, (BATCH,), 0, N_ITEMS, dtype=jnp.int64 if jax.config.jax_enable_x64 else jnp.int32)
    user_factors = _xavier_uniform(k_uf, (N_USERS, N_FACTORS))
    item_factors = _xavier_uniform(k_if, (N_ITEMS, N_FACTORS))
    user_biases = jnp.zeros((N_USERS, 1), dtype=jnp.float32)
    item_biases = jnp.zeros((N_ITEMS, 1), dtype=jnp.float32)
    return {"user": user, "item": item, "user_factors": user_factors, "item_factors": item_factors, "user_biases": user_biases, "item_biases": item_biases}

def reference(user, item, user_factors, item_factors, user_biases, item_biases):
    # embedding lookups (gather rows)
    ub = jnp.take(user_biases, user, axis=0)   # [B, 1]
    ib = jnp.take(item_biases, item, axis=0)   # [B, 1]
    uf = jnp.take(user_factors, user, axis=0)  # [B, F]
    itf = jnp.take(item_factors, item, axis=0) # [B, F]
    pred = ub + ib
    pred = pred + jnp.sum(uf * itf, axis=1, keepdims=True)
    return jnp.squeeze(pred)

if __name__ == "__main__":
    import jax
    _d = setup_inputs()
    print(jax.jit(kernel)(*tuple(_d.values())))

</pallas_src>

<mosaic_0001>
#map = affine_map<(d0, d1) -> (0)>
#map1 = affine_map<(d0, d1) -> (0, 0)>
module attributes {stable_mosaic.version = 14 : i64} {
  func.func @_sc_body(%arg0: i32, %arg1: i32, %arg2: memref<16384xi32, #tpu.memory_space<hbm>>, %arg3: memref<16384xi32, #tpu.memory_space<hbm>>, %arg4: memref<32x1000000xf32, #tpu.memory_space<hbm>>, %arg5: memref<32x1000000xf32, #tpu.memory_space<hbm>>, %arg6: memref<1000000xf32, #tpu.memory_space<hbm>>, %arg7: memref<1000000xf32, #tpu.memory_space<hbm>>, %arg8: memref<16384xf32, #tpu.memory_space<hbm>>, %arg9: memref<512xi32, #tpu.memory_space<vmem>>, %arg10: memref<512xi32, #tpu.memory_space<vmem>>, %arg11: memref<256x128xf32, #tpu.memory_space<vmem>>, %arg12: memref<256x128xf32, #tpu.memory_space<vmem>>, %arg13: memref<4096xf32, #tpu.memory_space<vmem>>, %arg14: memref<4096xf32, #tpu.memory_space<vmem>>, %arg15: memref<512xf32, #tpu.memory_space<vmem>>, %arg16: memref<!tpu.dma_semaphore, #tpu.memory_space<semaphore_mem>>, %arg17: memref<!tpu.dma_semaphore, #tpu.memory_space<semaphore_mem>>, %arg18: memref<!tpu.dma_semaphore, #tpu.memory_space<semaphore_mem>>) attributes {dimension_semantics = [#tpu.dimension_semantics<core_parallel>, #tpu.dimension_semantics<subcore_parallel>], iteration_bounds = array<i64: 2, 16>, scalar_prefetch = 0 : i64, scratch_operands = 10 : i64, tpu.core_type = #tpu.core_type<sc_vector_subcore>, window_params = [{transform_indices = #map}, {transform_indices = #map}, {transform_indices = #map1}, {transform_indices = #map1}, {transform_indices = #map}, {transform_indices = #map}, {transform_indices = #map}]} {
    %mul3A = arith.constant 2 : i32
    %mul3A_0 = arith.muli %arg1, %mul3A : i32
    %add3A = arith.addi %mul3A_0, %arg0 : i32
    %mul3A_1 = arith.constant 512 : i32
    %mul3A_2 = arith.muli %add3A, %mul3A_1 : i32
    %iota3A = tpu.iota {dimensions = array<i32: 0>} : vector<16xi32>
    %broadcast_in_dim3A = arith.constant 0 : i32
    %broadcast_in_dim3A_3 = vector.broadcast %broadcast_in_dim3A : i32 to vector<16xi32>
    %broadcast_in_dim3A_4 = arith.constant 0.000000e+00 : f32
    %broadcast_in_dim3A_5 = vector.broadcast %broadcast_in_dim3A_4 : f32 to vector<16xf32>
    "tpu.region"() ({
      %run_scoped3A = tpu.sem_alloc : memref<!tpu.dma_semaphore, #tpu.memory_space<semaphore_mem>>
      %dma_start3A_279 = tpu.memref_slice %arg2[%mul3A_2] : memref<16384xi32, #tpu.memory_space<hbm>> -> memref<512xi32, #tpu.memory_space<hbm>>
      %dma_start3A_280 = tpu.memref_slice %arg2[%mul3A_2] : memref<16384xi32, #tpu.memory_space<hbm>> -> memref<512xi32, #tpu.memory_space<hbm>>
      tpu.enqueue_dma source(%dma_start3A_280 : memref<512xi32, #tpu.memory_space<hbm>>) target(%arg9 : memref<512xi32, #tpu.memory_space<vmem>>) target_semaphore(%run_scoped3A : memref<!tpu.dma_semaphore, #tpu.memory_space<semaphore_mem>>)
      %dma_wait3A_281 = tpu.memref_slice %arg2[%mul3A_2] : memref<16384xi32, #tpu.memory_space<hbm>> -> memref<512xi32, #tpu.memory_space<hbm>>
      %dma_wait3A_282 = tpu.memref_slice %arg2[%mul3A_2] : memref<16384xi32, #tpu.memory_space<hbm>> -> memref<512xi32, #tpu.memory_space<hbm>>
      tpu.wait_dma2 semaphore(%run_scoped3A : memref<!tpu.dma_semaphore, #tpu.memory_space<semaphore_mem>>) src(%dma_wait3A_282 : memref<512xi32, #tpu.memory_space<hbm>>) dst(%arg9 : memref<512xi32, #tpu.memory_space<vmem>>)
      tpu.yield
    }) : () -> ()
    "tpu.region"() ({
      %run_scoped3A = tpu.sem_alloc : memref<!tpu.dma_semaphore, #tpu.memory_space<semaphore_mem>>
      %dma_start3A_279 = tpu.memref_slice %arg3[%mul3A_2] : memref<16384xi32, #tpu.memory_space<hbm>> -> memref<512xi32, #tpu.memory_space<hbm>>
      %dma_start3A_280 = tpu.memref_slice %arg3[%mul3A_2] : memref<16384xi32, #tpu.memory_space<hbm>> -> memref<512xi32, #tpu.memory_space<hbm>>
      tpu.enqueue_dma source(%dma_start3A_280 : memref<512xi32, #tpu.memory_space<hbm>>) target(%arg10 : memref<512xi32, #tpu.memory_space<vmem>>) target_semaphore(%run_scoped3A : memref<!tpu.dma_semaphore, #tpu.memory_space<semaphore_mem>>)
      %dma_wait3A_281 = tpu.memref_slice %arg3[%mul3A_2] : memref<16384xi32, #tpu.memory_space<hbm>> -> memref<512xi32, #tpu.memory_space<hbm>>
      %dma_wait3A_282 = tpu.memref_slice %arg3[%mul3A_2] : memref<16384xi32, #tpu.memory_space<hbm>> -> memref<512xi32, #tpu.memory_space<hbm>>
      tpu.wait_dma2 semaphore(%run_scoped3A : memref<!tpu.dma_semaphore, #tpu.memory_space<semaphore_mem>>) src(%dma_wait3A_282 : memref<512xi32, #tpu.memory_space<hbm>>) dst(%arg10 : memref<512xi32, #tpu.memory_space<vmem>>)
      tpu.yield
    }) : () -> ()
    %scan3A = arith.constant 0 : i32
    %scan3A_6 = arith.constant 0 : i32
    %scan3A_7 = arith.constant 32 : i32
    %scan3A_8 = arith.addi %scan3A_6, %scan3A_7 : i32
    %scan3A_9 = arith.constant 1 : i32
    scf.for %scan3A_279 = %scan3A_6 to %scan3A_8 step %scan3A_9  : i32 {
      %mul3A_280 = arith.constant 16 : i32
      %mul3A_281 = arith.muli %scan3A_279, %mul3A_280 : i32
      %swap3A = arith.index_cast %mul3A_281 : i32 to index
      %swap3A_282 = tpu.vector_load %arg15[%swap3A] {strides = array<i32>} : memref<512xf32, #tpu.memory_space<vmem>>, vector<16xf32>,
      tpu.vector_store %arg15[%swap3A], %broadcast_in_dim3A_5 {strides = array<i32>} : memref<512xf32, #tpu.memory_space<vmem>>, vector<16xf32>,
    }
    %scan3A_10 = arith.constant 32 : i32
    %add3A_11 = arith.constant 0 : i32
    %add3A_12 = vector.broadcast %add3A_11 : i32 to vector<16xi32>
    %add3A_13 = arith.addi %broadcast_in_dim3A_3, %add3A_12 : vector<16xi32>
    %gather3A = tpu.vector_load_idx %arg9[%add3A_13] : memref<512xi32, #tpu.memory_space<vmem>>[vector<16xi32>], vector<16xi32>,
    %slice3A = vector.extract_strided_slice %gather3A {offsets = [0], sizes = [1], strides = [1]} : vector<16xi32> to vector<1xi32>
    %squeeze3A = vector.extract %slice3A[0] : i32 from vector<1xi32>
    %add3A_14 = arith.constant 0 : i32
    %add3A_15 = vector.broadcast %add3A_14 : i32 to vector<16xi32>
    %add3A_16 = arith.addi %broadcast_in_dim3A_3, %add3A_15 : vector<16xi32>
    %gather3A_17 = tpu.vector_load_idx %arg10[%add3A_16] : memref<512xi32, #tpu.memory_space<vmem>>[vector<16xi32>], vector<16xi32>,
    %slice3A_18 = vector.extract_strided_slice %gather3A_17 {offsets = [0], sizes = [1], strides = [1]} : vector<16xi32> to vector<1xi32>
    %squeeze3A_19 = vector.extract %slice3A_18[0] : i32 from vector<1xi32>
    %shift_right_arithmetic3A = arith.constant 7 : i32
    %shift_right_arithmetic3A_20 = arith.shrsi %squeeze3A, %shift_right_arithmetic3A : i32
    %shift_left3A = arith.constant 7 : i32
    %shift_left3A_21 = arith.shli %shift_right_arithmetic3A_20, %shift_left3A : i32
    %multiple_of3A = tpu.assume_multiple %shift_left3A_21, 128 : i32
    %shift_right_arithmetic3A_22 = arith.constant 7 : i32
    %shift_right_arithmetic3A_23 = arith.shrsi %squeeze3A_19, %shift_right_arithmetic3A_22 : i32
    %shift_left3A_24 = arith.constant 7 : i32
    %shift_left3A_25 = arith.shli %shift_right_arithmetic3A_23, %shift_left3A_24 : i32
    %multiple_of3A_26 = tpu.assume_multiple %shift_left3A_25, 128 : i32
    %dma_start3A = arith.constant 0 : i32
    %dma_start3A_27 = arith.constant 0 : i32
    %dma_start3A_28 = tpu.memref_slice %arg11[%dma_start3A, %dma_start3A_27] : memref<256x128xf32, #tpu.memory_space<vmem>> -> memref<32x128xf32, #tpu.memory_space<vmem>>
    %dma_start3A_29 = arith.constant 0 : i32
    %dma_start3A_30 = tpu.memref_slice %arg4[%dma_start3A_29, %multiple_of3A] : memref<32x1000000xf32, #tpu.memory_space<hbm>> -> memref<32x128xf32, #tpu.memory_space<hbm>>
    %dma_start3A_31 = arith.constant 0 : i32
    %dma_start3A_32 = arith.constant 0 : i32
    %dma_start3A_33 = tpu.memref_slice %arg11[%dma_start3A_31, %dma_start3A_32] : memref<256x128xf32, #tpu.memory_space<vmem>> -> memref<32x128xf32, #tpu.memory_space<vmem>>
    %dma_start3A_34 = arith.constant 0 : i32
    %dma_start3A_35 = tpu.memref_slice %arg4[%dma_start3A_34, %multiple_of3A] : memref<32x1000000xf32, #tpu.memory_space<hbm>> -> memref<32x128xf32, #tpu.memory_space<hbm>>
    tpu.enqueue_dma source(%dma_start3A_35 : memref<32x128xf32, #tpu.memory_space<hbm>>) target(%dma_start3A_33 : memref<32x128xf32, #tpu.memory_space<vmem>>) target_semaphore(%arg16 : memref<!tpu.dma_semaphore, #tpu.memory_space<semaphore_mem>>)
    %dma_start3A_36 = arith.constant 0 : i32
    %dma_start3A_37 = arith.constant 0 : i32
    %dma_start3A_38 = tpu.memref_slice %arg12[%dma_start3A_36, %dma_start3A_37] : memref<256x128xf32, #tpu.memory_space<vmem>> -> memref<32x128xf32, #tpu.memory_space<vmem>>
    %dma_start3A_39 = arith.constant 0 : i32
    %dma_start3A_40 = tpu.memref_slice %arg5[%dma_start3A_39, %multiple_of3A_26] : memref<32x1000000xf32, #tpu.memory_space<hbm>> -> memref<32x128xf32, #tpu.memory_space<hbm>>
    %dma_start3A_41 = arith.constant 0 : i32
    %dma_start3A_42 = arith.constant 0 : i32
    %dma_start3A_43 = tpu.memref_slice %arg12[%dma_start3A_41, %dma_start3A_42] : memref<256x128xf32, #tpu.memory_space<vmem>> -> memref<32x128xf32, #tpu.memory_space<vmem>>
    %dma_start3A_44 = arith.constant 0 : i32
    %dma_start3A_45 = tpu.memref_slice %arg5[%dma_start3A_44, %multiple_of3A_26] : memref<32x1000000xf32, #tpu.memory_space<hbm>> -> memref<32x128xf32, #tpu.memory_space<hbm>>
    tpu.enqueue_dma source(%dma_start3A_45 : memref<32x128xf32, #tpu.memory_space<hbm>>) target(%dma_start3A_43 : memref<32x128xf32, #tpu.memory_space<vmem>>) target_semaphore(%arg16 : memref<!tpu.dma_semaphore, #tpu.memory_space<semaphore_mem>>)
    %shift_right_arithmetic3A_46 = arith.constant 3 : i32
    %shift_right_arithmetic3A_47 = arith.shrsi %squeeze3A, %shift_right_arithmetic3A_46 : i32
    %shift_left3A_48 = arith.constant 3 : i32
    %shift_left3A_49 = arith.shli %shift_right_arithmetic3A_47, %shift_left3A_48 : i32
    %multiple_of3A_50 = tpu.assume_multiple %shift_left3A_49, 8 : i32
    %shift_right_arithmetic3A_51 = arith.constant 3 : i32
    %shift_right_arithmetic3A_52 = arith.shrsi %squeeze3A_19, %shift_right_arithmetic3A_51 : i32
    %shift_left3A_53 = arith.constant 3 : i32
    %shift_left3A_54 = arith.shli %shift_right_arithmetic3A_52, %shift_left3A_53 : i32
    %multiple_of3A_55 = tpu.assume_multiple %shift_left3A_54, 8 : i32
    %dma_start3A_56 = arith.constant 0 : i32
    %dma_start3A_57 = tpu.memref_slice %arg13[%dma_start3A_56] : memref<4096xf32, #tpu.memory_space<vmem>> -> memref<8xf32, #tpu.memory_space<vmem>>
    %dma_start3A_58 = tpu.memref_slice %arg6[%multiple_of3A_50] : memref<1000000xf32, #tpu.memory_space<hbm>> -> memref<8xf32, #tpu.memory_space<hbm>>
    %dma_start3A_59 = arith.constant 0 : i32
    %dma_start3A_60 = tpu.memref_slice %arg13[%dma_start3A_59] : memref<4096xf32, #tpu.memory_space<vmem>> -> memref<8xf32, #tpu.memory_space<vmem>>
    %dma_start3A_61 = tpu.memref_slice %arg6[%multiple_of3A_50] : memref<1000000xf32, #tpu.memory_space<hbm>> -> memref<8xf32, #tpu.memory_space<hbm>>
    tpu.enqueue_dma source(%dma_start3A_61 : memref<8xf32, #tpu.memory_space<hbm>>) target(%dma_start3A_60 : memref<8xf32, #tpu.memory_space<vmem>>) target_semaphore(%arg18 : memref<!tpu.dma_semaphore, #tpu.memory_space<semaphore_mem>>)
    %dma_start3A_62 = arith.constant 0 : i32
    %dma_start3A_63 = tpu.memref_slice %arg14[%dma_start3A_62] : memref<4096xf32, #tpu.memory_space<vmem>> -> memref<8xf32, #tpu.memory_space<vmem>>
    %dma_start3A_64 = tpu.memref_slice %arg7[%multiple_of3A_55] : memref<1000000xf32, #tpu.memory_space<hbm>> -> memref<8xf32, #tpu.memory_space<hbm>>
    %dma_start3A_65 = arith.constant 0 : i32
    %dma_start3A_66 = tpu.memref_slice %arg14[%dma_start3A_65] : memref<4096xf32, #tpu.memory_space<vmem>> -> memref<8xf32, #tpu.memory_space<vmem>>
    %dma_start3A_67 = tpu.memref_slice %arg7[%multiple_of3A_55] : memref<1000000xf32, #tpu.memory_space<hbm>> -> memref<8xf32, #tpu.memory_space<hbm>>
    tpu.enqueue_dma source(%dma_start3A_67 : memref<8xf32, #tpu.memory_space<hbm>>) target(%dma_start3A_66 : memref<8xf32, #tpu.memory_space<vmem>>) target_semaphore(%arg18 : memref<!tpu.dma_semaphore, #tpu.memory_space<semaphore_mem>>)
    %add3A_68 = arith.constant 1 : i32
    %add3A_69 = vector.broadcast %add3A_68 : i32 to vector<16xi32>
    %add3A_70 = arith.addi %broadcast_in_dim3A_3, %add3A_69 : vector<16xi32>
    %gather3A_71 = tpu.vector_load_idx %arg9[%add3A_70] : memref<512xi32, #tpu.memory_space<vmem>>[vector<16xi32>], vector<16xi32>,
    %slice3A_72 = vector.extract_strided_slice %gather3A_71 {offsets = [0], sizes = [1], strides = [1]} : vector<16xi32> to vector<1xi32>
    %squeeze3A_73 = vector.extract %slice3A_72[0] : i32 from vector<1xi32>
    %add3A_74 = arith.constant 1 : i32
    %add3A_75 = vector.broadcast %add3A_74 : i32 to vector<16xi32>
    %add3A_76 = arith.addi %broadcast_in_dim3A_3, %add3A_75 : vector<16xi32>
    %gather3A_77 = tpu.vector_load_idx %arg10[%add3A_76] : memref<512xi32, #tpu.memory_space<vmem>>[vector<16xi32>], vector<16xi32>,
    %slice3A_78 = vector.extract_strided_slice %gather3A_77 {offsets = [0], sizes = [1], strides = [1]} : vector<16xi32> to vector<1xi32>
    %squeeze3A_79 = vector.extract %slice3A_78[0] : i32 from vector<1xi32>
    %shift_right_arithmetic3A_80 = arith.constant 7 : i32
    %shift_right_arithmetic3A_81 = arith.shrsi %squeeze3A_73, %shift_right_arithmetic3A_80 : i32
    %shift_left3A_82 = arith.constant 7 : i32
    %shift_left3A_83 = arith.shli %shift_right_arithmetic3A_81, %shift_left3A_82 : i32
    %multiple_of3A_84 = tpu.assume_multiple %shift_left3A_83, 128 : i32
    %shift_right_arithmetic3A_85 = arith.constant 7 : i32
    %shift_right_arithmetic3A_86 = arith.shrsi %squeeze3A_79, %shift_right_arithmetic3A_85 : i32
    %shift_left3A_87 = arith.constant 7 : i32
    %shift_left3A_88 = arith.shli %shift_right_arithmetic3A_86, %shift_left3A_87 : i32
    %multiple_of3A_89 = tpu.assume_multiple %shift_left3A_88, 128 : i32
    %dma_start3A_90 = arith.constant 32 : i32
    %dma_start3A_91 = arith.constant 0 : i32
    %dma_start3A_92 = tpu.memref_slice %arg11[%dma_start3A_90, %dma_start3A_91] : memref<256x128xf32, #tpu.memory_space<vmem>> -> memref<32x128xf32, #tpu.memory_space<vmem>>
    %dma_start3A_93 = arith.constant 0 : i32
    %dma_start3A_94 = tpu.memref_slice %arg4[%dma_start3A_93, %multiple_of3A_84] : memref<32x1000000xf32, #tpu.memory_space<hbm>> -> memref<32x128xf32, #tpu.memory_space<hbm>>
    %dma_start3A_95 = arith.constant 32 : i32
    %dma_start3A_96 = arith.constant 0 : i32
    %dma_start3A_97 = tpu.memref_slice %arg11[%dma_start3A_95, %dma_start3A_96] : memref<256x128xf32, #tpu.memory_space<vmem>> -> memref<32x128xf32, #tpu.memory_space<vmem>>
    %dma_start3A_98 = arith.constant 0 : i32
    %dma_start3A_99 = tpu.memref_slice %arg4[%dma_start3A_98, %multiple_of3A_84] : memref<32x1000000xf32, #tpu.memory_space<hbm>> -> memref<32x128xf32, #tpu.memory_space<hbm>>
    tpu.enqueue_dma source(%dma_start3A_99 : memref<32x128xf32, #tpu.memory_space<hbm>>) target(%dma_start3A_97 : memref<32x128xf32, #tpu.memory_space<vmem>>) target_semaphore(%arg16 : memref<!tpu.dma_semaphore, #tpu.memory_space<semaphore_mem>>)
    %dma_start3A_100 = arith.constant 32 : i32
    %dma_start3A_101 = arith.constant 0 : i32
    %dma_start3A_102 = tpu.memref_slice %arg12[%dma_start3A_100, %dma_start3A_101] : memref<256x128xf32, #tpu.memory_space<vmem>> -> memref<32x128xf32, #tpu.memory_space<vmem>>
    %dma_start3A_103 = arith.constant 0 : i32
    %dma_start3A_104 = tpu.memref_slice %arg5[%dma_start3A_103, %multiple_of3A_89] : memref<32x1000000xf32, #tpu.memory_space<hbm>> -> memref<32x128xf32, #tpu.memory_space<hbm>>
    %dma_start3A_105 = arith.constant 32 : i32
    %dma_start3A_106 = arith.constant 0 : i32
    %dma_start3A_107 = tpu.memref_slice %arg12[%dma_start3A_105, %dma_start3A_106] : memref<256x128xf32, #tpu.memory_space<vmem>> -> memref<32x128xf32, #tpu.memory_space<vmem>>
    %dma_start3A_108 = arith.constant 0 : i32
    %dma_start3A_109 = tpu.memref_slice %arg5[%dma_start3A_108, %multiple_of3A_89] : memref<32x1000000xf32, #tpu.memory_space<hbm>> -> memref<32x128xf32, #tpu.memory_space<hbm>>
    tpu.enqueue_dma source(%dma_start3A_109 : memref<32x128xf32, #tpu.memory_space<hbm>>) target(%dma_start3A_107 : memref<32x128xf32, #tpu.memory_space<vmem>>) target_semaphore(%arg16 : memref<!tpu.dma_semaphore, #tpu.memory_space<semaphore_mem>>)
    %shift_right_arithmetic3A_110 = arith.constant 3 : i32
    %shift_right_arithmetic3A_111 = arith.shrsi %squeeze3A_73, %shift_right_arithmetic3A_110 : i32
    %shift_left3A_112 = arith.constant 3 : i32
    %shift_left3A_113 = arith.shli %shift_right_arithmetic3A_111, %shift_left3A_112 : i32
    %multiple_of3A_114 = tpu.assume_multiple %shift_left3A_113, 8 : i32
    %shift_right_arithmetic3A_115 = arith.constant 3 : i32
    %shift_right_arithmetic3A_116 = arith.shrsi %squeeze3A_79, %shift_right_arithmetic3A_115 : i32
    %shift_left3A_117 = arith.constant 3 : i32
    %shift_left3A_118 = arith.shli %shift_right_arithmetic3A_116, %shift_left3A_117 : i32
    %multiple_of3A_119 = tpu.assume_multiple %shift_left3A_118, 8 : i32
    %dma_start3A_120 = arith.constant 8 : i32
    %dma_start3A_121 = tpu.memref_slice %arg13[%dma_start3A_120] : memref<4096xf32, #tpu.memory_space<vmem>> -> memref<8xf32, #tpu.memory_space<vmem>>
    %dma_start3A_122 = tpu.memref_slice %arg6[%multiple_of3A_114] : memref<1000000xf32, #tpu.memory_space<hbm>> -> memref<8xf32, #tpu.memory_space<hbm>>
    %dma_start3A_123 = arith.constant 8 : i32
    %dma_start3A_124 = tpu.memref_slice %arg13[%dma_start3A_123] : memref<4096xf32, #tpu.memory_space<vmem>> -> memref<8xf32, #tpu.memory_space<vmem>>
    %dma_start3A_125 = tpu.memref_slice %arg6[%multiple_of3A_114] : memref<1000000xf32, #tpu.memory_space<hbm>> -> memref<8xf32, #tpu.memory_space<hbm>>
    tpu.enqueue_dma source(%dma_start3A_125 : memref<8xf32, #tpu.memory_space<hbm>>) target(%dma_start3A_124 : memref<8xf32, #tpu.memory_space<vmem>>) target_semaphore(%arg18 : memref<!tpu.dma_semaphore, #tpu.memory_space<semaphore_mem>>)
    %dma_start3A_126 = arith.constant 8 : i32
    %dma_start3A_127 = tpu.memref_slice %arg14[%dma_start3A_126] : memref<4096xf32, #tpu.memory_space<vmem>> -> memref<8xf32, #tpu.memory_space<vmem>>
    %dma_start3A_128 = tpu.memref_slice %arg7[%multiple_of3A_119] : memref<1000000xf32, #tpu.memory_space<hbm>> -> memref<8xf32, #tpu.memory_space<hbm>>
    %dma_start3A_129 = arith.constant 8 : i32
    %dma_start3A_130 = tpu.memref_slice %arg14[%dma_start3A_129] : memref<4096xf32, #tpu.memory_space<vmem>> -> memref<8xf32, #tpu.memory_space<vmem>>
    %dma_start3A_131 = tpu.memref_slice %arg7[%multiple_of3A_119] : memref<1000000xf32, #tpu.memory_space<hbm>> -> memref<8xf32, #tpu.memory_space<hbm>>
    tpu.enqueue_dma source(%dma_start3A_131 : memref<8xf32, #tpu.memory_space<hbm>>) target(%dma_start3A_130 : memref<8xf32, #tpu.memory_space<vmem>>) target_semaphore(%arg18 : memref<!tpu.dma_semaphore, #tpu.memory_space<semaphore_mem>>)
    %add3A_132 = arith.constant 2 : i32
    %add3A_133 = vector.broadcast %add3A_132 : i32 to vector<16xi32>
    %add3A_134 = arith.addi %broadcast_in_dim3A_3, %add3A_133 : vector<16xi32>
    %gather3A_135 = tpu.vector_load_idx %arg9[%add3A_134] : memref<512xi32, #tpu.memory_space<vmem>>[vector<16xi32>], vector<16xi32>,
    %slice3A_136 = vector.extract_strided_slice %gather3A_135 {offsets = [0], sizes = [1], strides = [1]} : vector<16xi32> to vector<1xi32>
    %squeeze3A_137 = vector.extract %slice3A_136[0] : i32 from vector<1xi32>
    %add3A_138 = arith.constant 2 : i32
    %add3A_139 = vector.broadcast %add3A_138 : i32 to vector<16xi32>
    %add3A_140 = arith.addi %broadcast_in_dim3A_3, %add3A_139 : vector<16xi32>
    %gather3A_141 = tpu.vector_load_idx %arg10[%add3A_140] : memref<512xi32, #tpu.memory_space<vmem>>[vector<16xi32>], vector<16xi32>,
    %slice3A_142 = vector.extract_strided_slice %gather3A_141 {offsets = [0], sizes = [1], strides = [1]} : vector<16xi32> to vector<1xi32>
    %squeeze3A_143 = vector.extract %slice3A_142[0] : i32 from vector<1xi32>
    %shift_right_arithmetic3A_144 = arith.constant 7 : i32
    %shift_right_arithmetic3A_145 = arith.shrsi %squeeze3A_137, %shift_right_arithmetic3A_144 : i32
    %shift_left3A_146 = arith.constant 7 : i32
    %shift_left3A_147 = arith.shli %shift_right_arithmetic3A_145, %shift_left3A_146 : i32
    %multiple_of3A_148 = tpu.assume_multiple %shift_left3A_147, 128 : i32
    %shift_right_arithmetic3A_149 = arith.constant 7 : i32
    %shift_right_arithmetic3A_150 = arith.shrsi %squeeze3A_143, %shift_right_arithmetic3A_149 : i32
    %shift_left3A_151 = arith.constant 7 : i32
    %shift_left3A_152 = arith.shli %shift_right_arithmetic3A_150, %shift_left3A_151 : i32
    %multiple_of3A_153 = tpu.assume_multiple %shift_left3A_152, 128 : i32
    %dma_start3A_154 = arith.constant 64 : i32
    %dma_start3A_155 = arith.constant 0 : i32
    %dma_start3A_156 = tpu.memref_slice %arg11[%dma_start3A_154, %dma_start3A_155] : memref<256x128xf32, #tpu.memory_space<vmem>> -> memref<32x128xf32, #tpu.memory_space<vmem>>
    %dma_start3A_157 = arith.constant 0 : i32
    %dma_start3A_158 = tpu.memref_slice %arg4[%dma_start3A_157, %multiple_of3A_148] : memref<32x1000000xf32, #tpu.memory_space<hbm>> -> memref<32x128xf32, #tpu.memory_space<hbm>>
    %dma_start3A_159 = arith.constant 64 : i32
    %dma_start3A_160 = arith.constant 0 : i32
    %dma_start3A_161 = tpu.memref_slice %arg11[%dma_start3A_159, %dma_start3A_160] : memref<256x128xf32, #tpu.memory_space<vmem>> -> memref<32x128xf32, #tpu.memory_space<vmem>>
    %dma_start3A_162 = arith.constant 0 : i32
    %dma_start3A_163 = tpu.memref_slice %arg4[%dma_start3A_162, %multiple_of3A_148] : memref<32x1000000xf32, #tpu.memory_space<hbm>> -> memref<32x128xf32, #tpu.memory_space<hbm>>
    tpu.enqueue_dma source(%dma_start3A_163 : memref<32x128xf32, #tpu.memory_space<hbm>>) target(%dma_start3A_161 : memref<32x128xf32, #tpu.memory_space<vmem>>) target_semaphore(%arg16 : memref<!tpu.dma_semaphore, #tpu.memory_space<semaphore_mem>>)
    %dma_start3A_164 = arith.constant 64 : i32
    %dma_start3A_165 = arith.constant 0 : i32
    %dma_start3A_166 = tpu.memref_slice %arg12[%dma_start3A_164, %dma_start3A_165] : memref<256x128xf32, #tpu.memory_space<vmem>> -> memref<32x128xf32, #tpu.memory_space<vmem>>
    %dma_start3A_167 = arith.constant 0 : i32
    %dma_start3A_168 = tpu.memref_slice %arg5[%dma_start3A_167, %multiple_of3A_153] : memref<32x1000000xf32, #tpu.memory_space<hbm>> -> memref<32x128xf32, #tpu.memory_space<hbm>>
    %dma_start3A_169 = arith.constant 64 : i32
    %dma_start3A_170 = arith.constant 0 : i32
    %dma_start3A_171 = tpu.memref_slice %arg12[%dma_start3A_169, %dma_start3A_170] : memref<256x128xf32, #tpu.memory_space<vmem>> -> memref<32x128xf32, #tpu.memory_space<vmem>>
    %dma_start3A_172 = arith.constant 0 : i32
    %dma_start3A_173 = tpu.memref_slice %arg5[%dma_start3A_172, %multiple_of3A_153] : memref<32x1000000xf32, #tpu.memory_space<hbm>> -> memref<32x128xf32, #tpu.memory_space<hbm>>
    tpu.enqueue_dma source(%dma_start3A_173 : memref<32x128xf32, #tpu.memory_space<hbm>>) target(%dma_start3A_171 : memref<32x128xf32, #tpu.memory_space<vmem>>) target_semaphore(%arg16 : memref<!tpu.dma_semaphore, #tpu.memory_space<semaphore_mem>>)
    %shift_right_arithmetic3A_174 = arith.constant 3 : i32
    %shift_right_arithmetic3A_175 = arith.shrsi %squeeze3A_137, %shift_right_arithmetic3A_174 : i32
    %shift_left3A_176 = arith.constant 3 : i32
    %shift_left3A_177 = arith.shli %shift_right_arithmetic3A_175, %shift_left3A_176 : i32
    %multiple_of3A_178 = tpu.assume_multiple %shift_left3A_177, 8 : i32
    %shift_right_arithmetic3A_179 = arith.constant 3 : i32
    %shift_right_arithmetic3A_180 = arith.shrsi %squeeze3A_143, %shift_right_arithmetic3A_179 : i32
    %shift_left3A_181 = arith.constant 3 : i32
    %shift_left3A_182 = arith.shli %shift_right_arithmetic3A_180, %shift_left3A_181 : i32
    %multiple_of3A_183 = tpu.assume_multiple %shift_left3A_182, 8 : i32
    %dma_start3A_184 = arith.constant 16 : i32
    %dma_start3A_185 = tpu.memref_slice %arg13[%dma_start3A_184] : memref<4096xf32, #tpu.memory_space<vmem>> -> memref<8xf32, #tpu.memory_space<vmem>>
    %dma_start3A_186 = tpu.memref_slice %arg6[%multiple_of3A_178] : memref<1000000xf32, #tpu.memory_space<hbm>> -> memref<8xf32, #tpu.memory_space<hbm>>
    %dma_start3A_187 = arith.constant 16 : i32
    %dma_start3A_188 = tpu.memref_slice %arg13[%dma_start3A_187] : memref<4096xf32, #tpu.memory_space<vmem>> -> memref<8xf32, #tpu.memory_space<vmem>>
    %dma_start3A_189 = tpu.memref_slice %arg6[%multiple_of3A_178] : memref<1000000xf32, #tpu.memory_space<hbm>> -> memref<8xf32, #tpu.memory_space<hbm>>
    tpu.enqueue_dma source(%dma_start3A_189 : memref<8xf32, #tpu.memory_space<hbm>>) target(%dma_start3A_188 : memref<8xf32, #tpu.memory_space<vmem>>) target_semaphore(%arg18 : memref<!tpu.dma_semaphore, #tpu.memory_space<semaphore_mem>>)
    %dma_start3A_190 = arith.constant 16 : i32
    %dma_start3A_191 = tpu.memref_slice %arg14[%dma_start3A_190] : memref<4096xf32, #tpu.memory_space<vmem>> -> memref<8xf32, #tpu.memory_space<vmem>>
    %dma_start3A_192 = tpu.memref_slice %arg7[%multiple_of3A_183] : memref<1000000xf32, #tpu.memory_space<hbm>> -> memref<8xf32, #tpu.memory_space<hbm>>
    %dma_start3A_193 = arith.constant 16 : i32
    %dma_start3A_194 = tpu.memref_slice %arg14[%dma_start3A_193] : memref<4096xf32, #tpu.memory_space<vmem>> -> memref<8xf32, #tpu.memory_space<vmem>>
    %dma_start3A_195 = tpu.memref_slice %arg7[%multiple_of3A_183] : memref<1000000xf32, #tpu.memory_space<hbm>> -> memref<8xf32, #tpu.memory_space<hbm>>
    tpu.enqueue_dma source(%dma_start3A_195 : memref<8xf32, #tpu.memory_space<hbm>>) target(%dma_start3A_194 : memref<8xf32, #tpu.memory_space<vmem>>) target_semaphore(%arg18 : memref<!tpu.dma_semaphore, #tpu.memory_space<semaphore_mem>>)
    %add3A_196 = arith.constant 3 : i32
    %add3A_197 = vector.broadcast %add3A_196 : i32 to vector<16xi32>
    %add3A_198 = arith.addi %broadcast_in_dim3A_3, %add3A_197 : vector<16xi32>
    %gather3A_199 = tpu.vector_load_idx %arg9[%add3A_198] : memref<512xi32, #tpu.memory_space<vmem>>[vector<16xi32>], vector<16xi32>,
    %slice3A_200 = vector.extract_strided_slice %gather3A_199 {offsets = [0], sizes = [1], strides = [1]} : vector<16xi32> to vector<1xi32>
    %squeeze3A_201 = vector.extract %slice3A_200[0] : i32 from vector<1xi32>
    %add3A_202 = arith.constant 3 : i32
    %add3A_203 = vector.broadcast %add3A_202 : i32 to vector<16xi32>
    %add3A_204 = arith.addi %broadcast_in_dim3A_3, %add3A_203 : vector<16xi32>
    %gather3A_205 = tpu.vector_load_idx %arg10[%add3A_204] : memref<512xi32, #tpu.memory_space<vmem>>[vector<16xi32>], vector<16xi32>,
    %slice3A_206 = vector.extract_strided_slice %gather3A_205 {offsets = [0], sizes = [1], strides = [1]} : vector<16xi32> to vector<1xi32>
    %squeeze3A_207 = vector.extract %slice3A_206[0] : i32 from vector<1xi32>
    %shift_right_arithmetic3A_208 = arith.constant 7 : i32
    %shift_right_arithmetic3A_209 = arith.shrsi %squeeze3A_201, %shift_right_arithmetic3A_208 : i32
    %shift_left3A_210 = arith.constant 7 : i32
    %shift_left3A_211 = arith.shli %shift_right_arithmetic3A_209, %shift_left3A_210 : i32
    %multiple_of3A_212 = tpu.assume_multiple %shift_left3A_211, 128 : i32
    %shift_right_arithmetic3A_213 = arith.constant 7 : i32
    %shift_right_arithmetic3A_214 = arith.shrsi %squeeze3A_207, %shift_right_arithmetic3A_213 : i32
    %shift_left3A_215 = arith.constant 7 : i32
    %shift_left3A_216 = arith.shli %shift_right_arithmetic3A_214, %shift_left3A_215 : i32
    %multiple_of3A_217 = tpu.assume_multiple %shift_left3A_216, 128 : i32
    %dma_start3A_218 = arith.constant 96 : i32
    %dma_start3A_219 = arith.constant 0 : i32
    %dma_start3A_220 = tpu.memref_slice %arg11[%dma_start3A_218, %dma_start3A_219] : memref<256x128xf32, #tpu.memory_space<vmem>> -> memref<32x128xf32, #tpu.memory_space<vmem>>
    %dma_start3A_221 = arith.constant 0 : i32
    %dma_start3A_222 = tpu.memref_slice %arg4[%dma_start3A_221, %multiple_of3A_212] : memref<32x1000000xf32, #tpu.memory_space<hbm>> -> memref<32x128xf32, #tpu.memory_space<hbm>>
    %dma_start3A_223 = arith.constant 96 : i32
    %dma_start3A_224 = arith.constant 0 : i32
    %dma_start3A_225 = tpu.memref_slice %arg11[%dma_start3A_223, %dma_start3A_224] : memref<256x128xf32, #tpu.memory_space<vmem>> -> memref<32x128xf32, #tpu.memory_space<vmem>>
    %dma_start3A_226 = arith.constant 0 : i32
    %dma_start3A_227 = tpu.memref_slice %arg4[%dma_start3A_226, %multiple_of3A_212] : memref<32x1000000xf32, #tpu.memory_space<hbm>> -> memref<32x128xf32, #tpu.memory_space<hbm>>
    tpu.enqueue_dma source(%dma_start3A_227 : memref<32x128xf32, #tpu.memory_space<hbm>>) target(%dma_start3A_225 : memref<32x128xf32, #tpu.memory_space<vmem>>) target_semaphore(%arg16 : memref<!tpu.dma_semaphore, #tpu.memory_space<semaphore_mem>>)
    %dma_start3A_228 = arith.constant 96 : i32
    %dma_start3A_229 = arith.constant 0 : i32
    %dma_start3A_230 = tpu.memref_slice %arg12[%dma_start3A_228, %dma_start3A_229] : memref<256x128xf32, #tpu.memory_space<vmem>> -> memref<32x128xf32, #tpu.memory_space<vmem>>
    %dma_start3A_231 = arith.constant 0 : i32
    %dma_start3A_232 = tpu.memref_slice %arg5[%dma_start3A_231, %multiple_of3A_217] : memref<32x1000000xf32, #tpu.memory_space<hbm>> -> memref<32x128xf32, #tpu.memory_space<hbm>>
    %dma_start3A_233 = arith.constant 96 : i32
    %dma_start3A_234 = arith.constant 0 : i32
    %dma_start3A_235 = tpu.memref_slice %arg12[%dma_start3A_233, %dma_start3A_234] : memref<256x128xf32, #tpu.memory_space<vmem>> -> memref<32x128xf32, #tpu.memory_space<vmem>>
    %dma_start3A_236 = arith.constant 0 : i32
    %dma_start3A_237 = tpu.memref_slice %arg5[%dma_start3A_236, %multiple_of3A_217] : memref<32x1000000xf32, #tpu.memory_space<hbm>> -> memref<32x128xf32, #tpu.memory_space<hbm>>
    tpu.enqueue_dma source(%dma_start3A_237 : memref<32x128xf32, #tpu.memory_space<hbm>>) target(%dma_start3A_235 : memref<32x128xf32, #tpu.memory_space<vmem>>) target_semaphore(%arg16 : memref<!tpu.dma_semaphore, #tpu.memory_space<semaphore_mem>>)
    %shift_right_arithmetic3A_238 = arith.constant 3 : i32
    %shift_right_arithmetic3A_239 = arith.shrsi %squeeze3A_201, %shift_right_arithmetic3A_238 : i32
    %shift_left3A_240 = arith.constant 3 : i32
    %shift_left3A_241 = arith.shli %shift_right_arithmetic3A_239, %shift_left3A_240 : i32
    %multiple_of3A_242 = tpu.assume_multiple %shift_left3A_241, 8 : i32
    %shift_right_arithmetic3A_243 = arith.constant 3 : i32
    %shift_right_arithmetic3A_244 = arith.shrsi %squeeze3A_207, %shift_right_arithmetic3A_243 : i32
    %shift_left3A_245 = arith.constant 3 : i32
    %shift_left3A_246 = arith.shli %shift_right_arithmetic3A_244, %shift_left3A_245 : i32
    %multiple_of3A_247 = tpu.assume_multiple %shift_left3A_246, 8 : i32
    %dma_start3A_248 = arith.constant 24 : i32
    %dma_start3A_249 = tpu.memref_slice %arg13[%dma_start3A_248] : memref<4096xf32, #tpu.memory_space<vmem>> -> memref<8xf32, #tpu.memory_space<vmem>>
    %dma_start3A_250 = tpu.memref_slice %arg6[%multiple_of3A_242] : memref<1000000xf32, #tpu.memory_space<hbm>> -> memref<8xf32, #tpu.memory_space<hbm>>
    %dma_start3A_251 = arith.constant 24 : i32
    %dma_start3A_252 = tpu.memref_slice %arg13[%dma_start3A_251] : memref<4096xf32, #tpu.memory_space<vmem>> -> memref<8xf32, #tpu.memory_space<vmem>>
    %dma_start3A_253 = tpu.memref_slice %arg6[%multiple_of3A_242] : memref<1000000xf32, #tpu.memory_space<hbm>> -> memref<8xf32, #tpu.memory_space<hbm>>
    tpu.enqueue_dma source(%dma_start3A_253 : memref<8xf32, #tpu.memory_space<hbm>>) target(%dma_start3A_252 : memref<8xf32, #tpu.memory_space<vmem>>) target_semaphore(%arg18 : memref<!tpu.dma_semaphore, #tpu.memory_space<semaphore_mem>>)
    %dma_start3A_254 = arith.constant 24 : i32
    %dma_start3A_255 = tpu.memref_slice %arg14[%dma_start3A_254] : memref<4096xf32, #tpu.memory_space<vmem>> -> memref<8xf32, #tpu.memory_space<vmem>>
    %dma_start3A_256 = tpu.memref_slice %arg7[%multiple_of3A_247] : memref<1000000xf32, #tpu.memory_space<hbm>> -> memref<8xf32, #tpu.memory_space<hbm>>
    %dma_start3A_257 = arith.constant 24 : i32
    %dma_start3A_258 = tpu.memref_slice %arg14[%dma_start3A_257] : memref<4096xf32, #tpu.memory_space<vmem>> -> memref<8xf32, #tpu.memory_space<vmem>>
    %dma_start3A_259 = tpu.memref_slice %arg7[%multiple_of3A_247] : memref<1000000xf32, #tpu.memory_space<hbm>> -> memref<8xf32, #tpu.memory_space<hbm>>
    tpu.enqueue_dma source(%dma_start3A_259 : memref<8xf32, #tpu.memory_space<hbm>>) target(%dma_start3A_258 : memref<8xf32, #tpu.memory_space<vmem>>) target_semaphore(%arg18 : memref<!tpu.dma_semaphore, #tpu.memory_space<semaphore_mem>>)
    %scan3A_260 = arith.constant 0 : i32
    %scan3A_261 = arith.constant 0 : i32
    %scan3A_262 = arith.constant 64 : i32
    %scan3A_263 = arith.addi %scan3A_261, %scan3A_262 : i32
    %scan3A_264 = arith.constant 1 : i32
    scf.for %scan3A_279 = %scan3A_261 to %scan3A_263 step %scan3A_264  : i32 {
      %mul3A_280 = arith.constant 2 : i32
      %mul3A_281 = arith.muli %mul3A_280, %scan3A_279 : i32
      %mul3A_282 = arith.constant 2 : i32
      %mul3A_283 = arith.muli %mul3A_282, %scan3A_279 : i32
      %add3A_284 = arith.constant 1 : i32
      %add3A_285 = arith.addi %mul3A_283, %add3A_284 : i32
      %mul3A_286 = arith.constant 4 : i32
      %mul3A_287 = arith.muli %add3A_285, %mul3A_286 : i32
      %add3A_288 = arith.constant 0 : i32
      %add3A_289 = arith.addi %mul3A_287, %add3A_288 : i32
      %add3A_290 = vector.broadcast %add3A_289 : i32 to vector<16xi32>
      %add3A_291 = arith.addi %broadcast_in_dim3A_3, %add3A_290 : vector<16xi32>
      %gather3A_292 = tpu.vector_load_idx %arg9[%add3A_291] : memref<512xi32, #tpu.memory_space<vmem>>[vector<16xi32>], vector<16xi32>,
      %slice3A_293 = vector.extract_strided_slice %gather3A_292 {offsets = [0], sizes = [1], strides = [1]} : vector<16xi32> to vector<1xi32>
      %squeeze3A_294 = vector.extract %slice3A_293[0] : i32 from vector<1xi32>
      %add3A_295 = vector.broadcast %add3A_289 : i32 to vector<16xi32>
      %add3A_296 = arith.addi %broadcast_in_dim3A_3, %add3A_295 : vector<16xi32>
      %gather3A_297 = tpu.vector_load_idx %arg10[%add3A_296] : memref<512xi32, #tpu.memory_space<vmem>>[vector<16xi32>], vector<16xi32>,
      %slice3A_298 = vector.extract_strided_slice %gather3A_297 {offsets = [0], sizes = [1], strides = [1]} : vector<16xi32> to vector<1xi32>
      %squeeze3A_299 = vector.extract %slice3A_298[0] : i32 from vector<1xi32>
      %shift_right_arithmetic3A_300 = arith.constant 7 : i32
      %shift_right_arithmetic3A_301 = arith.shrsi %squeeze3A_294, %shift_right_arithmetic3A_300 : i32
      %shift_left3A_302 = arith.constant 7 : i32
      %shift_left3A_303 = arith.shli %shift_right_arithmetic3A_301, %shift_left3A_302 : i32
      %multiple_of3A_304 = tpu.assume_multiple %shift_left3A_303, 128 : i32
      %shift_right_arithmetic3A_305 = arith.constant 7 : i32
      %shift_right_arithmetic3A_306 = arith.shrsi %squeeze3A_299, %shift_right_arithmetic3A_305 : i32
      %shift_left3A_307 = arith.constant 7 : i32
      %shift_left3A_308 = arith.shli %shift_right_arithmetic3A_306, %shift_left3A_307 : i32
      %multiple_of3A_309 = tpu.assume_multiple %shift_left3A_308, 128 : i32
      %dma_start3A_310 = arith.constant 128 : i32
      %dma_start3A_311 = arith.constant 0 : i32
      %dma_start3A_312 = tpu.memref_slice %arg11[%dma_start3A_310, %dma_start3A_311] : memref<256x128xf32, #tpu.memory_space<vmem>> -> memref<32x128xf32, #tpu.memory_space<vmem>>
      %dma_start3A_313 = arith.constant 0 : i32
      %dma_start3A_314 = tpu.memref_slice %arg4[%dma_start3A_313, %multiple_of3A_304] : memref<32x1000000xf32, #tpu.memory_space<hbm>> -> memref<32x128xf32, #tpu.memory_space<hbm>>
      %dma_start3A_315 = arith.constant 128 : i32
      %dma_start3A_316 = arith.constant 0 : i32
      %dma_start3A_317 = tpu.memref_slice %arg11[%dma_start3A_315, %dma_start3A_316] : memref<256x128xf32, #tpu.memory_space<vmem>> -> memref<32x128xf32, #tpu.memory_space<vmem>>
      %dma_start3A_318 = arith.constant 0 : i32
      %dma_start3A_319 = tpu.memref_slice %arg4[%dma_start3A_318, %multiple_of3A_304] : memref<32x1000000xf32, #tpu.memory_space<hbm>> -> memref<32x128xf32, #tpu.memory_space<hbm>>
      tpu.enqueue_dma source(%dma_start3A_319 : memref<32x128xf32, #tpu.memory_space<hbm>>) target(%dma_start3A_317 : memref<32x128xf32, #tpu.memory_space<vmem>>) target_semaphore(%arg17 : memref<!tpu.dma_semaphore, #tpu.memory_space<semaphore_mem>>)
      %dma_start3A_320 = arith.constant 128 : i32
      %dma_start3A_321 = arith.constant 0 : i32
      %dma_start3A_322 = tpu.memref_slice %arg12[%dma_start3A_320, %dma_start3A_321] : memref<256x128xf32, #tpu.memory_space<vmem>> -> memref<32x128xf32, #tpu.memory_space<vmem>>
      %dma_start3A_323 = arith.constant 0 : i32
      %dma_start3A_324 = tpu.memref_slice %arg5[%dma_start3A_323, %multiple_of3A_309] : memref<32x1000000xf32, #tpu.memory_space<hbm>> -> memref<32x128xf32, #tpu.memory_space<hbm>>
      %dma_start3A_325 = arith.constant 128 : i32
      %dma_start3A_326 = arith.constant 0 : i32
      %dma_start3A_327 = tpu.memref_slice %arg12[%dma_start3A_325, %dma_start3A_326] : memref<256x128xf32, #tpu.memory_space<vmem>> -> memref<32x128xf32, #tpu.memory_space<vmem>>
      %dma_start3A_328 = arith.constant 0 : i32
      %dma_start3A_329 = tpu.memref_slice %arg5[%dma_start3A_328, %multiple_of3A_309] : memref<32x1000000xf32, #tpu.memory_space<hbm>> -> memref<32x128xf32, #tpu.memory_space<hbm>>
      tpu.enqueue_dma source(%dma_start3A_329 : memref<32x128xf32, #tpu.memory_space<hbm>>) target(%dma_start3A_327 : memref<32x128xf32, #tpu.memory_space<vmem>>) target_semaphore(%arg17 : memref<!tpu.dma_semaphore, #tpu.memory_space<semaphore_mem>>)
      %shift_right_arithmetic3A_330 = arith.constant 3 : i32
      %shift_right_arithmetic3A_331 = arith.shrsi %squeeze3A_294, %shift_right_arithmetic3A_330 : i32
      %shift_left3A_332 = arith.constant 3 : i32
      %shift_left3A_333 = arith.shli %shift_right_arithmetic3A_331, %shift_left3A_332 : i32
      %multiple_of3A_334 = tpu.assume_multiple %shift_left3A_333, 8 : i32
      %shift_right_arithmetic3A_335 = arith.constant 3 : i32
      %shift_right_arithmetic3A_336 = arith.shrsi %squeeze3A_299, %shift_right_arithmetic3A_335 : i32
      %shift_left3A_337 = arith.constant 3 : i32
      %shift_left3A_338 = arith.shli %shift_right_arithmetic3A_336, %shift_left3A_337 : i32
      %multiple_of3A_339 = tpu.assume_multiple %shift_left3A_338, 8 : i32
      %mul3A_340 = arith.constant 8 : i32
      %mul3A_341 = arith.muli %add3A_289, %mul3A_340 : i32
      %dma_start3A_342 = tpu.memref_slice %arg13[%mul3A_341] : memref<4096xf32, #tpu.memory_space<vmem>> -> memref<8xf32, #tpu.memory_space<vmem>>
      %dma_start3A_343 = tpu.memref_slice %arg6[%multiple_of3A_334] : memref<1000000xf32, #tpu.memory_space<hbm>> -> memref<8xf32, #tpu.memory_space<hbm>>
      %dma_start3A_344 = tpu.memref_slice %arg13[%mul3A_341] : memref<4096xf32, #tpu.memory_space<vmem>> -> memref<8xf32, #tpu.memory_space<vmem>>
      %dma_start3A_345 = tpu.memref_slice %arg6[%multiple_of3A_334] : memref<1000000xf32, #tpu.memory_space<hbm>> -> memref<8xf32, #tpu.memory_space<hbm>>
      tpu.enqueue_dma source(%dma_start3A_345 : memref<8xf32, #tpu.memory_space<hbm>>) target(%dma_start3A_344 : memref<8xf32, #tpu.memory_space<vmem>>) target_semaphore(%arg18 : memref<!tpu.dma_semaphore, #tpu.memory_space<semaphore_mem>>)
      %mul3A_346 = arith.constant 8 : i32
      %mul3A_347 = arith.muli %add3A_289, %mul3A_346 : i32
      %dma_start3A_348 = tpu.memref_slice %arg14[%mul3A_347] : memref<4096xf32, #tpu.memory_space<vmem>> -> memref<8xf32, #tpu.memory_space<vmem>>
      %dma_start3A_349 = tpu.memref_slice %arg7[%multiple_of3A_339] : memref<1000000xf32, #tpu.memory_space<hbm>> -> memref<8xf32, #tpu.memory_space<hbm>>
      %dma_start3A_350 = tpu.memref_slice %arg14[%mul3A_347] : memref<4096xf32, #tpu.memory_space<vmem>> -> memref<8xf32, #tpu.memory_space<vmem>>
      %dma_start3A_351 = tpu.memref_slice %arg7[%multiple_of3A_339] : memref<1000000xf32, #tpu.memory_space<hbm>> -> memref<8xf32, #tpu.memory_space<hbm>>
      tpu.enqueue_dma source(%dma_start3A_351 : memref<8xf32, #tpu.memory_space<hbm>>) target(%dma_start3A_350 : memref<8xf32, #tpu.memory_space<vmem>>) target_semaphore(%arg18 : memref<!tpu.dma_semaphore, #tpu.memory_space<semaphore_mem>>)
      %mul3A_352 = arith.constant 4 : i32
      %mul3A_353 = arith.muli %add3A_285, %mul3A_352 : i32
      %add3A_354 = arith.constant 1 : i32
      %add3A_355 = arith.addi %mul3A_353, %add3A_354 : i32
      %add3A_356 = vector.broadcast %add3A_355 : i32 to vector<16xi32>
      %add3A_357 = arith.addi %broadcast_in_dim3A_3, %add3A_356 : vector<16xi32>
      %gather3A_358 = tpu.vector_load_idx %arg9[%add3A_357] : memref<512xi32, #tpu.memory_space<vmem>>[vector<16xi32>], vector<16xi32>,
      %slice3A_359 = vector.extract_strided_slice %gather3A_358 {offsets = [0], sizes = [1], strides = [1]} : vector<16xi32> to vector<1xi32>
      %squeeze3A_360 = vector.extract %slice3A_359[0] : i32 from vector<1xi32>
      %add3A_361 = vector.broadcast %add3A_355 : i32 to vector<16xi32>
      %add3A_362 = arith.addi %broadcast_in_dim3A_3, %add3A_361 : vector<16xi32>
      %gather3A_363 = tpu.vector_load_idx %arg10[%add3A_362] : memref<512xi32, #tpu.memory_space<vmem>>[vector<16xi32>], vector<16xi32>,
      %slice3A_364 = vector.extract_strided_slice %gather3A_363 {offsets = [0], sizes = [1], strides = [1]} : vector<16xi32> to vector<1xi32>
      %squeeze3A_365 = vector.extract %slice3A_364[0] : i32 from vector<1xi32>
      %shift_right_arithmetic3A_366 = arith.constant 7 : i32
      %shift_right_arithmetic3A_367 = arith.shrsi %squeeze3A_360, %shift_right_arithmetic3A_366 : i32
      %shift_left3A_368 = arith.constant 7 : i32
      %shift_left3A_369 = arith.shli %shift_right_arithmetic3A_367, %shift_left3A_368 : i32
      %multiple_of3A_370 = tpu.assume_multiple %shift_left3A_369, 128 : i32
      %shift_right_arithmetic3A_371 = arith.constant 7 : i32
      %shift_right_arithmetic3A_372 = arith.shrsi %squeeze3A_365, %shift_right_arithmetic3A_371 : i32
      %shift_left3A_373 = arith.constant 7 : i32
      %shift_left3A_374 = arith.shli %shift_right_arithmetic3A_372, %shift_left3A_373 : i32
      %multiple_of3A_375 = tpu.assume_multiple %shift_left3A_374, 128 : i32
      %dma_start3A_376 = arith.constant 160 : i32
      %dma_start3A_377 = arith.constant 0 : i32
      %dma_start3A_378 = tpu.memref_slice %arg11[%dma_start3A_376, %dma_start3A_377] : memref<256x128xf32, #tpu.memory_space<vmem>> -> memref<32x128xf32, #tpu.memory_space<vmem>>
      %dma_start3A_379 = arith.constant 0 : i32
      %dma_start3A_380 = tpu.memref_slice %arg4[%dma_start3A_379, %multiple_of3A_370] : memref<32x1000000xf32, #tpu.memory_space<hbm>> -> memref<32x128xf32, #tpu.memory_space<hbm>>
      %dma_start3A_381 = arith.constant 160 : i32
      %dma_start3A_382 = arith.constant 0 : i32
      %dma_start3A_383 = tpu.memref_slice %arg11[%dma_start3A_381, %dma_start3A_382] : memref<256x128xf32, #tpu.memory_space<vmem>> -> memref<32x128xf32, #tpu.memory_space<vmem>>
      %dma_start3A_384 = arith.constant 0 : i32
      %dma_start3A_385 = tpu.memref_slice %arg4[%dma_start3A_384, %multiple_of3A_370] : memref<32x1000000xf32, #tpu.memory_space<hbm>> -> memref<32x128xf32, #tpu.memory_space<hbm>>
      tpu.enqueue_dma source(%dma_start3A_385 : memref<32x128xf32, #tpu.memory_space<hbm>>) target(%dma_start3A_383 : memref<32x128xf32, #tpu.memory_space<vmem>>) target_semaphore(%arg17 : memref<!tpu.dma_semaphore, #tpu.memory_space<semaphore_mem>>)
      %dma_start3A_386 = arith.constant 160 : i32
      %dma_start3A_387 = arith.constant 0 : i32
      %dma_start3A_388 = tpu.memref_slice %arg12[%dma_start3A_386, %dma_start3A_387] : memref<256x128xf32, #tpu.memory_space<vmem>> -> memref<32x128xf32, #tpu.memory_space<vmem>>
      %dma_start3A_389 = arith.constant 0 : i32
      %dma_start3A_390 = tpu.memref_slice %arg5[%dma_start3A_389, %multiple_of3A_375] : memref<32x1000000xf32, #tpu.memory_space<hbm>> -> memref<32x128xf32, #tpu.memory_space<hbm>>
      %dma_start3A_391 = arith.constant 160 : i32
      %dma_start3A_392 = arith.constant 0 : i32
      %dma_start3A_393 = tpu.memref_slice %arg12[%dma_start3A_391, %dma_start3A_392] : memref<256x128xf32, #tpu.memory_space<vmem>> -> memref<32x128xf32, #tpu.memory_space<vmem>>
      %dma_start3A_394 = arith.constant 0 : i32
      %dma_start3A_395 = tpu.memref_slice %arg5[%dma_start3A_394, %multiple_of3A_375] : memref<32x1000000xf32, #tpu.memory_space<hbm>> -> memref<32x128xf32, #tpu.memory_space<hbm>>
      tpu.enqueue_dma source(%dma_start3A_395 : memref<32x128xf32, #tpu.memory_space<hbm>>) target(%dma_start3A_393 : memref<32x128xf32, #tpu.memory_space<vmem>>) target_semaphore(%arg17 : memref<!tpu.dma_semaphore, #tpu.memory_space<semaphore_mem>>)
      %shift_right_arithmetic3A_396 = arith.constant 3 : i32
      %shift_right_arithmetic3A_397 = arith.shrsi %squeeze3A_360, %shift_right_arithmetic3A_396 : i32
      %shift_left3A_398 = arith.constant 3 : i32
      %shift_left3A_399 = arith.shli %shift_right_arithmetic3A_397, %shift_left3A_398 : i32
      %multiple_of3A_400 = tpu.assume_multiple %shift_left3A_399, 8 : i32
      %shift_right_arithmetic3A_401 = arith.constant 3 : i32
      %shift_right_arithmetic3A_402 = arith.shrsi %squeeze3A_365, %shift_right_arithmetic3A_401 : i32
      %shift_left3A_403 = arith.constant 3 : i32
      %shift_left3A_404 = arith.shli %shift_right_arithmetic3A_402, %shift_left3A_403 : i32
      %multiple_of3A_405 = tpu.assume_multiple %shift_left3A_404, 8 : i32
      %mul3A_406 = arith.constant 8 : i32
      %mul3A_407 = arith.muli %add3A_355, %mul3A_406 : i32
      %dma_start3A_408 = tpu.memref_slice %arg13[%mul3A_407] : memref<4096xf32, #tpu.memory_space<vmem>> -> memref<8xf32, #tpu.memory_space<vmem>>
      %dma_start3A_409 = tpu.memref_slice %arg6[%multiple_of3A_400] : memref<1000000xf32, #tpu.memory_space<hbm>> -> memref<8xf32, #tpu.memory_space<hbm>>
      %dma_start3A_410 = tpu.memref_slice %arg13[%mul3A_407] : memref<4096xf32, #tpu.memory_space<vmem>> -> memref<8xf32, #tpu.memory_space<vmem>>
      %dma_start3A_411 = tpu.memref_slice %arg6[%multiple_of3A_400] : memref<1000000xf32, #tpu.memory_space<hbm>> -> memref<8xf32, #tpu.memory_space<hbm>>
      tpu.enqueue_dma source(%dma_start3A_411 : memref<8xf32, #tpu.memory_space<hbm>>) target(%dma_start3A_410 : memref<8xf32, #tpu.memory_space<vmem>>) target_semaphore(%arg18 : memref<!tpu.dma_semaphore, #tpu.memory_space<semaphore_mem>>)
      %mul3A_412 = arith.constant 8 : i32
      %mul3A_413 = arith.muli %add3A_355, %mul3A_412 : i32
      %dma_start3A_414 = tpu.memref_slice %arg14[%mul3A_413] : memref<4096xf32, #tpu.memory_space<vmem>> -> memref<8xf32, #tpu.memory_space<vmem>>
      %dma_start3A_415 = tpu.memref_slice %arg7[%multiple_of3A_405] : memref<1000000xf32, #tpu.memory_space<hbm>> -> memref<8xf32, #tpu.memory_space<hbm>>
      %dma_start3A_416 = tpu.memref_slice %arg14[%mul3A_413] : memref<4096xf32, #tpu.memory_space<vmem>> -> memref<8xf32, #tpu.memory_space<vmem>>
      %dma_start3A_417 = tpu.memref_slice %arg7[%multiple_of3A_405] : memref<1000000xf32, #tpu.memory_space<hbm>> -> memref<8xf32, #tpu.memory_space<hbm>>
      tpu.enqueue_dma source(%dma_start3A_417 : memref<8xf32, #tpu.memory_space<hbm>>) target(%dma_start3A_416 : memref<8xf32, #tpu.memory_space<vmem>>) target_semaphore(%arg18 : memref<!tpu.dma_semaphore, #tpu.memory_space<semaphore_mem>>)
      %mul3A_418 = arith.constant 4 : i32
      %mul3A_419 = arith.muli %add3A_285, %mul3A_418 : i32
      %add3A_420 = arith.constant 2 : i32
      %add3A_421 = arith.addi %mul3A_419, %add3A_420 : i32
      %add3A_422 = vector.broadcast %add3A_421 : i32 to vector<16xi32>
      %add3A_423 = arith.addi %broadcast_in_dim3A_3, %add3A_422 : vector<16xi32>
      %gather3A_424 = tpu.vector_load_idx %arg9[%add3A_423] : memref<512xi32, #tpu.memory_space<vmem>>[vector<16xi32>], vector<16xi32>,
      %slice3A_425 = vector.extract_strided_slice %gather3A_424 {offsets = [0], sizes = [1], strides = [1]} : vector<16xi32> to vector<1xi32>
      %squeeze3A_426 = vector.extract %slice3A_425[0] : i32 from vector<1xi32>
      %add3A_427 = vector.broadcast %add3A_421 : i32 to vector<16xi32>
      %add3A_428 = arith.addi %broadcast_in_dim3A_3, %add3A_427 : vector<16xi32>
      %gather3A_429 = tpu.vector_load_idx %arg10[%add3A_428] : memref<512xi32, #tpu.memory_space<vmem>>[vector<16xi32>], vector<16xi32>,
      %slice3A_430 = vector.extract_strided_slice %gather3A_429 {offsets = [0], sizes = [1], strides = [1]} : vector<16xi32> to vector<1xi32>
      %squeeze3A_431 = vector.extract %slice3A_430[0] : i32 from vector<1xi32>
      %shift_right_arithmetic3A_432 = arith.constant 7 : i32
      %shift_right_arithmetic3A_433 = arith.shrsi %squeeze3A_426, %shift_right_arithmetic3A_432 : i32
      %shift_left3A_434 = arith.constant 7 : i32
      %shift_left3A_435 = arith.shli %shift_right_arithmetic3A_433, %shift_left3A_434 : i32
      %multiple_of3A_436 = tpu.assume_multiple %shift_left3A_435, 128 : i32
      %shift_right_arithmetic3A_437 = arith.constant 7 : i32
      %shift_right_arithmetic3A_438 = arith.shrsi %squeeze3A_431, %shift_right_arithmetic3A_437 : i32
      %shift_left3A_439 = arith.constant 7 : i32
      %shift_left3A_440 = arith.shli %shift_right_arithmetic3A_438, %shift_left3A_439 : i32
      %multiple_of3A_441 = tpu.assume_multiple %shift_left3A_440, 128 : i32
      %dma_start3A_442 = arith.constant 192 : i32
      %dma_start3A_443 = arith.constant 0 : i32
      %dma_start3A_444 = tpu.memref_slice %arg11[%dma_start3A_442, %dma_start3A_443] : memref<256x128xf32, #tpu.memory_space<vmem>> -> memref<32x128xf32, #tpu.memory_space<vmem>>
      %dma_start3A_445 = arith.constant 0 : i32
      %dma_start3A_446 = tpu.memref_slice %arg4[%dma_start3A_445, %multiple_of3A_436] : memref<32x1000000xf32, #tpu.memory_space<hbm>> -> memref<32x128xf32, #tpu.memory_space<hbm>>
      %dma_start3A_447 = arith.constant 192 : i32
      %dma_start3A_448 = arith.constant 0 : i32
      %dma_start3A_449 = tpu.memref_slice %arg11[%dma_start3A_447, %dma_start3A_448] : memref<256x128xf32, #tpu.memory_space<vmem>> -> memref<32x128xf32, #tpu.memory_space<vmem>>
      %dma_start3A_450 = arith.constant 0 : i32
      %dma_start3A_451 = tpu.memref_slice %arg4[%dma_start3A_450, %multiple_of3A_436] : memref<32x1000000xf32, #tpu.memory_space<hbm>> -> memref<32x128xf32, #tpu.memory_space<hbm>>
      tpu.enqueue_dma source(%dma_start3A_451 : memref<32x128xf32, #tpu.memory_space<hbm>>) target(%dma_start3A_449 : memref<32x128xf32, #tpu.memory_space<vmem>>) target_semaphore(%arg17 : memref<!tpu.dma_semaphore, #tpu.memory_space<semaphore_mem>>)
      %dma_start3A_452 = arith.constant 192 : i32
      %dma_start3A_453 = arith.constant 0 : i32
      %dma_start3A_454 = tpu.memref_slice %arg12[%dma_start3A_452, %dma_start3A_453] : memref<256x128xf32, #tpu.memory_space<vmem>> -> memref<32x128xf32, #tpu.memory_space<vmem>>
      %dma_start3A_455 = arith.constant 0 : i32
      %dma_start3A_456 = tpu.memref_slice %arg5[%dma_start3A_455, %multiple_of3A_441] : memref<32x1000000xf32, #tpu.memory_space<hbm>> -> memref<32x128xf32, #tpu.memory_space<hbm>>
      %dma_start3A_457 = arith.constant 192 : i32
      %dma_start3A_458 = arith.constant 0 : i32
      %dma_start3A_459 = tpu.memref_slice %arg12[%dma_start3A_457, %dma_start3A_458] : memref<256x128xf32, #tpu.memory_space<vmem>> -> memref<32x128xf32, #tpu.memory_space<vmem>>
      %dma_start3A_460 = arith.constant 0 : i32
      %dma_start3A_461 = tpu.memref_slice %arg5[%dma_start3A_460, %multiple_of3A_441] : memref<32x1000000xf32, #tpu.memory_space<hbm>> -> memref<32x128xf32, #tpu.memory_space<hbm>>
      tpu.enqueue_dma source(%dma_start3A_461 : memref<32x128xf32, #tpu.memory_space<hbm>>) target(%dma_start3A_459 : memref<32x128xf32, #tpu.memory_space<vmem>>) target_semaphore(%arg17 : memref<!tpu.dma_semaphore, #tpu.memory_space<semaphore_mem>>)
      %shift_right_arithmetic3A_462 = arith.constant 3 : i32
      %shift_right_arithmetic3A_463 = arith.shrsi %squeeze3A_426, %shift_right_arithmetic3A_462 : i32
      %shift_left3A_464 = arith.constant 3 : i32
      %shift_left3A_465 = arith.shli %shift_right_arithmetic3A_463, %shift_left3A_464 : i32
      %multiple_of3A_466 = tpu.assume_multiple %shift_left3A_465, 8 : i32
      %shift_right_arithmetic3A_467 = arith.constant 3 : i32
      %shift_right_arithmetic3A_468 = arith.shrsi %squeeze3A_431, %shift_right_arithmetic3A_467 : i32
      %shift_left3A_469 = arith.constant 3 : i32
      %shift_left3A_470 = arith.shli %shift_right_arithmetic3A_468, %shift_left3A_469 : i32
      %multiple_of3A_471 = tpu.assume_multiple %shift_left3A_470, 8 : i32
      %mul3A_472 = arith.constant 8 : i32
      %mul3A_473 = arith.muli %add3A_421, %mul3A_472 : i32
      %dma_start3A_474 = tpu.memref_slice %arg13[%mul3A_473] : memref<4096xf32, #tpu.memory_space<vmem>> -> memref<8xf32, #tpu.memory_space<vmem>>
      %dma_start3A_475 = tpu.memref_slice %arg6[%multiple_of3A_466] : memref<1000000xf32, #tpu.memory_space<hbm>> -> memref<8xf32, #tpu.memory_space<hbm>>
      %dma_start3A_476 = tpu.memref_slice %arg13[%mul3A_473] : memref<4096xf32, #tpu.memory_space<vmem>> -> memref<8xf32, #tpu.memory_space<vmem>>
      %dma_start3A_477 = tpu.memref_slice %arg6[%multiple_of3A_466] : memref<1000000xf32, #tpu.memory_space<hbm>> -> memref<8xf32, #tpu.memory_space<hbm>>
      tpu.enqueue_dma source(%dma_start3A_477 : memref<8xf32, #tpu.memory_space<hbm>>) target(%dma_start3A_476 : memref<8xf32, #tpu.memory_space<vmem>>) target_semaphore(%arg18 : memref<!tpu.dma_semaphore, #tpu.memory_space<semaphore_mem>>)
      %mul3A_478 = arith.constant 8 : i32
      %mul3A_479 = arith.muli %add3A_421, %mul3A_478 : i32
      %dma_start3A_480 = tpu.memref_slice %arg14[%mul3A_479] : memref<4096xf32, #tpu.memory_space<vmem>> -> memref<8xf32, #tpu.memory_space<vmem>>
      %dma_start3A_481 = tpu.memref_slice %arg7[%multiple_of3A_471] : memref<1000000xf32, #tpu.memory_space<hbm>> -> memref<8xf32, #tpu.memory_space<hbm>>
      %dma_start3A_482 = tpu.memref_slice %arg14[%mul3A_479] : memref<4096xf32, #tpu.memory_space<vmem>> -> memref<8xf32, #tpu.memory_space<vmem>>
      %dma_start3A_483 = tpu.memref_slice %arg7[%multiple_of3A_471] : memref<1000000xf32, #tpu.memory_space<hbm>> -> memref<8xf32, #tpu.memory_space<hbm>>
      tpu.enqueue_dma source(%dma_start3A_483 : memref<8xf32, #tpu.memory_space<hbm>>) target(%dma_start3A_482 : memref<8xf32, #tpu.memory_space<vmem>>) target_semaphore(%arg18 : memref<!tpu.dma_semaphore, #tpu.memory_space<semaphore_mem>>)
      %mul3A_484 = arith.constant 4 : i32
      %mul3A_485 = arith.muli %add3A_285, %mul3A_484 : i32
      %add3A_486 = arith.constant 3 : i32
      %add3A_487 = arith.addi %mul3A_485, %add3A_486 : i32
      %add3A_488 = vector.broadcast %add3A_487 : i32 to vector<16xi32>
      %add3A_489 = arith.addi %broadcast_in_dim3A_3, %add3A_488 : vector<16xi32>
      %gather3A_490 = tpu.vector_load_idx %arg9[%add3A_489] : memref<512xi32, #tpu.memory_space<vmem>>[vector<16xi32>], vector<16xi32>,
      %slice3A_491 = vector.extract_strided_slice %gather3A_490 {offsets = [0], sizes = [1], strides = [1]} : vector<16xi32> to vector<1xi32>
      %squeeze3A_492 = vector.extract %slice3A_491[0] : i32 from vector<1xi32>
      %add3A_493 = vector.broadcast %add3A_487 : i32 to vector<16xi32>
      %add3A_494 = arith.addi %broadcast_in_dim3A_3, %add3A_493 : vector<16xi32>
      %gather3A_495 = tpu.vector_load_idx %arg10[%add3A_494] : memref<512xi32, #tpu.memory_space<vmem>>[vector<16xi32>], vector<16xi32>,
      %slice3A_496 = vector.extract_strided_slice %gather3A_495 {offsets = [0], sizes = [1], strides = [1]} : vector<16xi32> to vector<1xi32>
      %squeeze3A_497 = vector.extract %slice3A_496[0] : i32 from vector<1xi32>
      %shift_right_arithmetic3A_498 = arith.constant 7 : i32
      %shift_right_arithmetic3A_499 = arith.shrsi %squeeze3A_492, %shift_right_arithmetic3A_498 : i32
      %shift_left3A_500 = arith.constant 7 : i32
      %shift_left3A_501 = arith.shli %shift_right_arithmetic3A_499, %shift_left3A_500 : i32
      %multiple_of3A_502 = tpu.assume_multiple %shift_left3A_501, 128 : i32
      %shift_right_arithmetic3A_503 = arith.constant 7 : i32
      %shift_right_arithmetic3A_504 = arith.shrsi %squeeze3A_497, %shift_right_arithmetic3A_503 : i32
      %shift_left3A_505 = arith.constant 7 : i32
      %shift_left3A_506 = arith.shli %shift_right_arithmetic3A_504, %shift_left3A_505 : i32
      %multiple_of3A_507 = tpu.assume_multiple %shift_left3A_506, 128 : i32
      %dma_start3A_508 = arith.constant 224 : i32
      %dma_start3A_509 = arith.constant 0 : i32
      %dma_start3A_510 = tpu.memref_slice %arg11[%dma_start3A_508, %dma_start3A_509] : memref<256x128xf32, #tpu.memory_space<vmem>> -> memref<32x128xf32, #tpu.memory_space<vmem>>
      %dma_start3A_511 = arith.constant 0 : i32
      %dma_start3A_512 = tpu.memref_slice %arg4[%dma_start3A_511, %multiple_of3A_502] : memref<32x1000000xf32, #tpu.memory_space<hbm>> -> memref<32x128xf32, #tpu.memory_space<hbm>>
      %dma_start3A_513 = arith.constant 224 : i32
      %dma_start3A_514 = arith.constant 0 : i32
      %dma_start3A_515 = tpu.memref_slice %arg11[%dma_start3A_513, %dma_start3A_514] : memref<256x128xf32, #tpu.memory_space<vmem>> -> memref<32x128xf32, #tpu.memory_space<vmem>>
      %dma_start3A_516 = arith.constant 0 : i32
      %dma_start3A_517 = tpu.memref_slice %arg4[%dma_start3A_516, %multiple_of3A_502] : memref<32x1000000xf32, #tpu.memory_space<hbm>> -> memref<32x128xf32, #tpu.memory_space<hbm>>
      tpu.enqueue_dma source(%dma_start3A_517 : memref<32x128xf32, #tpu.memory_space<hbm>>) target(%dma_start3A_515 : memref<32x128xf32, #tpu.memory_space<vmem>>) target_semaphore(%arg17 : memref<!tpu.dma_semaphore, #tpu.memory_space<semaphore_mem>>)
      %dma_start3A_518 = arith.constant 224 : i32
      %dma_start3A_519 = arith.constant 0 : i32
      %dma_start3A_520 = tpu.memref_slice %arg12[%dma_start3A_518, %dma_start3A_519] : memref<256x128xf32, #tpu.memory_space<vmem>> -> memref<32x128xf32, #tpu.memory_space<vmem>>
      %dma_start3A_521 = arith.constant 0 : i32
      %dma_start3A_522 = tpu.memref_slice %arg5[%dma_start3A_521, %multiple_of3A_507] : memref<32x1000000xf32, #tpu.memory_space<hbm>> -> memref<32x128xf32, #tpu.memory_space<hbm>>
      %dma_start3A_523 = arith.constant 224 : i32
      %dma_start3A_524 = arith.constant 0 : i32
      %dma_start3A_525 = tpu.memref_slice %arg12[%dma_start3A_523, %dma_start3A_524] : memref<256x128xf32, #tpu.memory_space<vmem>> -> memref<32x128xf32, #tpu.memory_space<vmem>>
      %dma_start3A_526 = arith.constant 0 : i32
      %dma_start3A_527 = tpu.memref_slice %arg5[%dma_start3A_526, %multiple_of3A_507] : memref<32x1000000xf32, #tpu.memory_space<hbm>> -> memref<32x128xf32, #tpu.memory_space<hbm>>
      tpu.enqueue_dma source(%dma_start3A_527 : memref<32x128xf32, #tpu.memory_space<hbm>>) target(%dma_start3A_525 : memref<32x128xf32, #tpu.memory_space<vmem>>) target_semaphore(%arg17 : memref<!tpu.dma_semaphore, #tpu.memory_space<semaphore_mem>>)
      %shift_right_arithmetic3A_528 = arith.constant 3 : i32
      %shift_right_arithmetic3A_529 = arith.shrsi %squeeze3A_492, %shift_right_arithmetic3A_528 : i32
      %shift_left3A_530 = arith.constant 3 : i32
      %shift_left3A_531 = arith.shli %shift_right_arithmetic3A_529, %shift_left3A_530 : i32
      %multiple_of3A_532 = tpu.assume_multiple %shift_left3A_531, 8 : i32
      %shift_right_arithmetic3A_533 = arith.constant 3 : i32
      %shift_right_arithmetic3A_534 = arith.shrsi %squeeze3A_497, %shift_right_arithmetic3A_533 : i32
      %shift_left3A_535 = arith.constant 3 : i32
      %shift_left3A_536 = arith.shli %shift_right_arithmetic3A_534, %shift_left3A_535 : i32
      %multiple_of3A_537 = tpu.assume_multiple %shift_left3A_536, 8 : i32
      %mul3A_538 = arith.constant 8 : i32
      %mul3A_539 = arith.muli %add3A_487, %mul3A_538 : i32
      %dma_start3A_540 = tpu.memref_slice %arg13[%mul3A_539] : memref<4096xf32, #tpu.memory_space<vmem>> -> memref<8xf32, #tpu.memory_space<vmem>>
      %dma_start3A_541 = tpu.memref_slice %arg6[%multiple_of3A_532] : memref<1000000xf32, #tpu.memory_space<hbm>> -> memref<8xf32, #tpu.memory_space<hbm>>
      %dma_start3A_542 = tpu.memref_slice %arg13[%mul3A_539] : memref<4096xf32, #tpu.memory_space<vmem>> -> memref<8xf32, #tpu.memory_space<vmem>>
      %dma_start3A_543 = tpu.memref_slice %arg6[%multiple_of3A_532] : memref<1000000xf32, #tpu.memory_space<hbm>> -> memref<8xf32, #tpu.memory_space<hbm>>
      tpu.enqueue_dma source(%dma_start3A_543 : memref<8xf32, #tpu.memory_space<hbm>>) target(%dma_start3A_542 : memref<8xf32, #tpu.memory_space<vmem>>) target_semaphore(%arg18 : memref<!tpu.dma_semaphore, #tpu.memory_space<semaphore_mem>>)
      %mul3A_544 = arith.constant 8 : i32
      %mul3A_545 = arith.muli %add3A_487, %mul3A_544 : i32
      %dma_start3A_546 = tpu.memref_slice %arg14[%mul3A_545] : memref<4096xf32, #tpu.memory_space<vmem>> -> memref<8xf32, #tpu.memory_space<vmem>>
      %dma_start3A_547 = tpu.memref_slice %arg7[%multiple_of3A_537] : memref<1000000xf32, #tpu.memory_space<hbm>> -> memref<8xf32, #tpu.memory_space<hbm>>
      %dma_start3A_548 = tpu.memref_slice %arg14[%mul3A_545] : memref<4096xf32, #tpu.memory_space<vmem>> -> memref<8xf32, #tpu.memory_space<vmem>>
      %dma_start3A_549 = tpu.memref_slice %arg7[%multiple_of3A_537] : memref<1000000xf32, #tpu.memory_space<hbm>> -> memref<8xf32, #tpu.memory_space<hbm>>
      tpu.enqueue_dma source(%dma_start3A_549 : memref<8xf32, #tpu.memory_space<hbm>>) target(%dma_start3A_548 : memref<8xf32, #tpu.memory_space<vmem>>) target_semaphore(%arg18 : memref<!tpu.dma_semaphore, #tpu.memory_space<semaphore_mem>>)
      %dma_wait3A_550 = arith.constant 0 : i32
      %dma_wait3A_551 = arith.constant 0 : i32
      %dma_wait3A_552 = tpu.memref_slice %arg11[%dma_wait3A_550, %dma_wait3A_551] : memref<256x128xf32, #tpu.memory_space<vmem>> -> memref<128x128xf32, #tpu.memory_space<vmem>>
      %dma_wait3A_553 = arith.constant 0 : i32
      %dma_wait3A_554 = arith.constant 0 : i32
      %dma_wait3A_555 = tpu.memref_slice %arg4[%dma_wait3A_553, %dma_wait3A_554] : memref<32x1000000xf32, #tpu.memory_space<hbm>> -> memref<32x512xf32, #tpu.memory_space<hbm>>
      %dma_wait3A_556 = arith.constant 0 : i32
      %dma_wait3A_557 = arith.constant 0 : i32
      %dma_wait3A_558 = tpu.memref_slice %arg11[%dma_wait3A_556, %dma_wait3A_557] : memref<256x128xf32, #tpu.memory_space<vmem>> -> memref<128x128xf32, #tpu.memory_space<vmem>>
      %dma_wait3A_559 = arith.constant 0 : i32
      %dma_wait3A_560 = arith.constant 0 : i32
      %dma_wait3A_561 = tpu.memref_slice %arg4[%dma_wait3A_559, %dma_wait3A_560] : memref<32x1000000xf32, #tpu.memory_space<hbm>> -> memref<32x512xf32, #tpu.memory_space<hbm>>
      tpu.wait_dma2 semaphore(%arg16 : memref<!tpu.dma_semaphore, #tpu.memory_space<semaphore_mem>>) src(%dma_wait3A_561 : memref<32x512xf32, #tpu.memory_space<hbm>>) dst(%dma_wait3A_558 : memref<128x128xf32, #tpu.memory_space<vmem>>)
      %dma_wait3A_562 = arith.constant 0 : i32
      %dma_wait3A_563 = arith.constant 0 : i32
      %dma_wait3A_564 = tpu.memref_slice %arg12[%dma_wait3A_562, %dma_wait3A_563] : memref<256x128xf32, #tpu.memory_space<vmem>> -> memref<128x128xf32, #tpu.memory_space<vmem>>
      %dma_wait3A_565 = arith.constant 0 : i32
      %dma_wait3A_566 = arith.constant 0 : i32
      %dma_wait3A_567 = tpu.memref_slice %arg4[%dma_wait3A_565, %dma_wait3A_566] : memref<32x1000000xf32, #tpu.memory_space<hbm>> -> memref<32x512xf32, #tpu.memory_space<hbm>>
      %dma_wait3A_568 = arith.constant 0 : i32
      %dma_wait3A_569 = arith.constant 0 : i32
      %dma_wait3A_570 = tpu.memref_slice %arg12[%dma_wait3A_568, %dma_wait3A_569] : memref<256x128xf32, #tpu.memory_space<vmem>> -> memref<128x128xf32, #tpu.memory_space<vmem>>
      %dma_wait3A_571 = arith.constant 0 : i32
      %dma_wait3A_572 = arith.constant 0 : i32
      %dma_wait3A_573 = tpu.memref_slice %arg4[%dma_wait3A_571, %dma_wait3A_572] : memref<32x1000000xf32, #tpu.memory_space<hbm>> -> memref<32x512xf32, #tpu.memory_space<hbm>>
      tpu.wait_dma2 semaphore(%arg16 : memref<!tpu.dma_semaphore, #tpu.memory_space<semaphore_mem>>) src(%dma_wait3A_573 : memref<32x512xf32, #tpu.memory_space<hbm>>) dst(%dma_wait3A_570 : memref<128x128xf32, #tpu.memory_space<vmem>>)
      %jit3A = arith.constant 4 : i32
      %div3A = arith.divsi %mul3A_281, %jit3A : i32
      %sign3A = arith.constant 0 : i32
      %sign3A_574 = arith.cmpi sgt, %mul3A_281, %sign3A : i32
      %sign3A_575 = arith.extui %sign3A_574 : i1 to i32
      %sign3A_576 = arith.constant 0 : i32
      %sign3A_577 = arith.cmpi slt, %mul3A_281, %sign3A_576 : i32
      %sign3A_578 = arith.extui %sign3A_577 : i1 to i32
      %sign3A_579 = arith.subi %sign3A_575, %sign3A_578 : i32
      %sign3A_580 = arith.constant 0 : i32
      %sign3A_581 = arith.cmpi sgt, %jit3A, %sign3A_580 : i32
      %sign3A_582 = arith.extui %sign3A_581 : i1 to i32
      %sign3A_583 = arith.constant 0 : i32
      %sign3A_584 = arith.cmpi slt, %jit3A, %sign3A_583 : i32
      %sign3A_585 = arith.extui %sign3A_584 : i1 to i32
      %sign3A_586 = arith.subi %sign3A_582, %sign3A_585 : i32
      %ne3A = arith.cmpi ne, %sign3A_579, %sign3A_586 : i32
      %rem3A = arith.remsi %mul3A_281, %jit3A : i32
      %ne3A_587 = arith.constant 0 : i32
      %ne3A_588 = arith.cmpi ne, %rem3A, %ne3A_587 : i32
      %and3A = arith.andi %ne3A, %ne3A_588 : i1
      %sub3A = arith.constant 1 : i32
      %sub3A_589 = arith.subi %div3A, %sub3A : i32
      %select_n3A = arith.select %and3A, %sub3A_589, %div3A : i32
      %jit3A_590 = arith.constant 4 : i32
      %eq3A = arith.constant 0 : i32
      %eq3A_591 = arith.cmpi eq, %jit3A_590, %eq3A : i32
      %jit3A_592 = arith.constant 1 : i32
      %select_n3A_593 = arith.select %eq3A_591, %jit3A_592, %jit3A_590 : i32
      %rem3A_594 = arith.remsi %mul3A_281, %select_n3A_593 : i32
      %ne3A_595 = arith.constant 0 : i32
      %ne3A_596 = arith.cmpi ne, %rem3A_594, %ne3A_595 : i32
      %lt3A = arith.constant 0 : i32
      %lt3A_597 = arith.cmpi slt, %rem3A_594, %lt3A : i32
      %lt3A_598 = arith.constant 0 : i32
      %lt3A_599 = arith.cmpi slt, %select_n3A_593, %lt3A_598 : i32
      %ne3A_600 = arith.xori %lt3A_597, %lt3A_599 : i1
      %and3A_601 = arith.andi %ne3A_600, %ne3A_596 : i1
      %add3A_602 = arith.addi %rem3A_594, %select_n3A_593 : i32
      %select_n3A_603 = arith.select %and3A_601, %add3A_602, %rem3A_594 : i32
      %mul3A_604 = arith.constant 4 : i32
      %mul3A_605 = arith.muli %select_n3A_603, %mul3A_604 : i32
      %mul3A_606 = arith.constant 4 : i32
      %mul3A_607 = arith.muli %mul3A_281, %mul3A_606 : i32
      %add3A_608 = arith.constant 0 : i32
      %add3A_609 = arith.addi %mul3A_607, %add3A_608 : i32
      %add3A_610 = vector.broadcast %add3A_609 : i32 to vector<16xi32>
      %add3A_611 = arith.addi %broadcast_in_dim3A_3, %add3A_610 : vector<16xi32>
      %gather3A_612 = tpu.vector_load_idx %arg9[%add3A_611] : memref<512xi32, #tpu.memory_space<vmem>>[vector<16xi32>], vector<16xi32>,
      %and3A_613 = arith.constant 127 : i32
      %and3A_614 = vector.broadcast %and3A_613 : i32 to vector<16xi32>
      %and3A_615 = arith.andi %gather3A_612, %and3A_614 : vector<16xi32>
      %add3A_616 = vector.broadcast %add3A_609 : i32 to vector<16xi32>
      %add3A_617 = arith.addi %broadcast_in_dim3A_3, %add3A_616 : vector<16xi32>
      %gather3A_618 = tpu.vector_load_idx %arg10[%add3A_617] : memref<512xi32, #tpu.memory_space<vmem>>[vector<16xi32>], vector<16xi32>,
      %and3A_619 = arith.constant 127 : i32
      %and3A_620 = vector.broadcast %and3A_619 : i32 to vector<16xi32>
      %and3A_621 = arith.andi %gather3A_618, %and3A_620 : vector<16xi32>
      %add3A_622 = arith.constant 0 : i32
      %add3A_623 = vector.broadcast %add3A_622 : i32 to vector<16xi32>
      %add3A_624 = arith.addi %add3A_623, %iota3A : vector<16xi32>
      %gather3A_625 = tpu.vector_load_idx %arg11[%add3A_624, %and3A_615] : memref<256x128xf32, #tpu.memory_space<vmem>>[vector<16xi32>, vector<16xi32>], vector<16xf32>,
      %gather3A_626 = tpu.vector_load_idx %arg12[%add3A_624, %and3A_621] : memref<256x128xf32, #tpu.memory_space<vmem>>[vector<16xi32>, vector<16xi32>], vector<16xf32>,
      %mul3A_627 = arith.mulf %gather3A_625, %gather3A_626 : vector<16xf32>
      %add3A_628 = arith.constant 16 : i32
      %add3A_629 = vector.broadcast %add3A_628 : i32 to vector<16xi32>
      %add3A_630 = arith.addi %add3A_624, %add3A_629 : vector<16xi32>
      %gather3A_631 = tpu.vector_load_idx %arg11[%add3A_630, %and3A_615] : memref<256x128xf32, #tpu.memory_space<vmem>>[vector<16xi32>, vector<16xi32>], vector<16xf32>,
      %add3A_632 = arith.constant 16 : i32
      %add3A_633 = vector.broadcast %add3A_632 : i32 to vector<16xi32>
      %add3A_634 = arith.addi %add3A_624, %add3A_633 : vector<16xi32>
      %gather3A_635 = tpu.vector_load_idx %arg12[%add3A_634, %and3A_621] : memref<256x128xf32, #tpu.memory_space<vmem>>[vector<16xi32>, vector<16xi32>], vector<16xf32>,
      %mul3A_636 = arith.mulf %gather3A_631, %gather3A_635 : vector<16xf32>
      %add3A_637 = arith.addf %mul3A_627, %mul3A_636 : vector<16xf32>
      %reduce_sum3A = arith.constant true
      %reduce_sum3A_638 = vector.broadcast %reduce_sum3A : i1 to vector<16xi1>
      %reduce_sum3A_639 = tpu.scan <sum>, %add3A_637 masked %reduce_sum3A_638 : vector<16xf32>, vector<16xi1> -> vector<16xf32>
      %reduce_sum3A_640 = vector.extract %reduce_sum3A_639[15] : f32 from vector<16xf32>
      %add3A_641 = arith.constant 0 : i32
      %add3A_642 = arith.addi %mul3A_605, %add3A_641 : i32
      %eq3A_643 = vector.broadcast %add3A_642 : i32 to vector<16xi32>
      %eq3A_644 = arith.cmpi eq, %iota3A, %eq3A_643 : vector<16xi32>
      %broadcast_in_dim3A_645 = vector.broadcast %reduce_sum3A_640 : f32 to vector<16xf32>
      %select_n3A_646 = arith.select %eq3A_644, %broadcast_in_dim3A_645, %broadcast_in_dim3A_5 : vector<16xi1>, vector<16xf32>
      %mul3A_647 = arith.constant 4 : i32
      %mul3A_648 = arith.muli %mul3A_281, %mul3A_647 : i32
      %add3A_649 = arith.constant 1 : i32
      %add3A_650 = arith.addi %mul3A_648, %add3A_649 : i32
      %add3A_651 = vector.broadcast %add3A_650 : i32 to vector<16xi32>
      %add3A_652 = arith.addi %broadcast_in_dim3A_3, %add3A_651 : vector<16xi32>
      %gather3A_653 = tpu.vector_load_idx %arg9[%add3A_652] : memref<512xi32, #tpu.memory_space<vmem>>[vector<16xi32>], vector<16xi32>,
      %and3A_654 = arith.constant 127 : i32
      %and3A_655 = vector.broadcast %and3A_654 : i32 to vector<16xi32>
      %and3A_656 = arith.andi %gather3A_653, %and3A_655 : vector<16xi32>
      %add3A_657 = vector.broadcast %add3A_650 : i32 to vector<16xi32>
      %add3A_658 = arith.addi %broadcast_in_dim3A_3, %add3A_657 : vector<16xi32>
      %gather3A_659 = tpu.vector_load_idx %arg10[%add3A_658] : memref<512xi32, #tpu.memory_space<vmem>>[vector<16xi32>], vector<16xi32>,
      %and3A_660 = arith.constant 127 : i32
      %and3A_661 = vector.broadcast %and3A_660 : i32 to vector<16xi32>
      %and3A_662 = arith.andi %gather3A_659, %and3A_661 : vector<16xi32>
      %add3A_663 = arith.constant 32 : i32
      %add3A_664 = vector.broadcast %add3A_663 : i32 to vector<16xi32>
      %add3A_665 = arith.addi %add3A_664, %iota3A : vector<16xi32>
      %gather3A_666 = tpu.vector_load_idx %arg11[%add3A_665, %and3A_656] : memref<256x128xf32, #tpu.memory_space<vmem>>[vector<16xi32>, vector<16xi32>], vector<16xf32>,
      %gather3A_667 = tpu.vector_load_idx %arg12[%add3A_665, %and3A_662] : memref<256x128xf32, #tpu.memory_space<vmem>>[vector<16xi32>, vector<16xi32>], vector<16xf32>,
      %mul3A_668 = arith.mulf %gather3A_666, %gather3A_667 : vector<16xf32>
      %add3A_669 = arith.constant 16 : i32
      %add3A_670 = vector.broadcast %add3A_669 : i32 to vector<16xi32>
      %add3A_671 = arith.addi %add3A_665, %add3A_670 : vector<16xi32>
      %gather3A_672 = tpu.vector_load_idx %arg11[%add3A_671, %and3A_656] : memref<256x128xf32, #tpu.memory_space<vmem>>[vector<16xi32>, vector<16xi32>], vector<16xf32>,
      %add3A_673 = arith.constant 16 : i32
      %add3A_674 = vector.broadcast %add3A_673 : i32 to vector<16xi32>
      %add3A_675 = arith.addi %add3A_665, %add3A_674 : vector<16xi32>
      %gather3A_676 = tpu.vector_load_idx %arg12[%add3A_675, %and3A_662] : memref<256x128xf32, #tpu.memory_space<vmem>>[vector<16xi32>, vector<16xi32>], vector<16xf32>,
      %mul3A_677 = arith.mulf %gather3A_672, %gather3A_676 : vector<16xf32>
      %add3A_678 = arith.addf %mul3A_668, %mul3A_677 : vector<16xf32>
      %reduce_sum3A_679 = arith.constant true
      %reduce_sum3A_680 = vector.broadcast %reduce_sum3A_679 : i1 to vector<16xi1>
      %reduce_sum3A_681 = tpu.scan <sum>, %add3A_678 masked %reduce_sum3A_680 : vector<16xf32>, vector<16xi1> -> vector<16xf32>
      %reduce_sum3A_682 = vector.extract %reduce_sum3A_681[15] : f32 from vector<16xf32>
      %add3A_683 = arith.constant 1 : i32
      %add3A_684 = arith.addi %mul3A_605, %add3A_683 : i32
      %eq3A_685 = vector.broadcast %add3A_684 : i32 to vector<16xi32>
      %eq3A_686 = arith.cmpi eq, %iota3A, %eq3A_685 : vector<16xi32>
      %broadcast_in_dim3A_687 = vector.broadcast %reduce_sum3A_682 : f32 to vector<16xf32>
      %select_n3A_688 = arith.select %eq3A_686, %broadcast_in_dim3A_687, %select_n3A_646 : vector<16xi1>, vector<16xf32>
      %mul3A_689 = arith.constant 4 : i32
      %mul3A_690 = arith.muli %mul3A_281, %mul3A_689 : i32
      %add3A_691 = arith.constant 2 : i32
      %add3A_692 = arith.addi %mul3A_690, %add3A_691 : i32
      %add3A_693 = vector.broadcast %add3A_692 : i32 to vector<16xi32>
      %add3A_694 = arith.addi %broadcast_in_dim3A_3, %add3A_693 : vector<16xi32>
      %gather3A_695 = tpu.vector_load_idx %arg9[%add3A_694] : memref<512xi32, #tpu.memory_space<vmem>>[vector<16xi32>], vector<16xi32>,
      %and3A_696 = arith.constant 127 : i32
      %and3A_697 = vector.broadcast %and3A_696 : i32 to vector<16xi32>
      %and3A_698 = arith.andi %gather3A_695, %and3A_697 : vector<16xi32>
      %add3A_699 = vector.broadcast %add3A_692 : i32 to vector<16xi32>
      %add3A_700 = arith.addi %broadcast_in_dim3A_3, %add3A_699 : vector<16xi32>
      %gather3A_701 = tpu.vector_load_idx %arg10[%add3A_700] : memref<512xi32, #tpu.memory_space<vmem>>[vector<16xi32>], vector<16xi32>,
      %and3A_702 = arith.constant 127 : i32
      %and3A_703 = vector.broadcast %and3A_702 : i32 to vector<16xi32>
      %and3A_704 = arith.andi %gather3A_701, %and3A_703 : vector<16xi32>
      %add3A_705 = arith.constant 64 : i32
      %add3A_706 = vector.broadcast %add3A_705 : i32 to vector<16xi32>
      %add3A_707 = arith.addi %add3A_706, %iota3A : vector<16xi32>
      %gather3A_708 = tpu.vector_load_idx %arg11[%add3A_707, %and3A_698] : memref<256x128xf32, #tpu.memory_space<vmem>>[vector<16xi32>, vector<16xi32>], vector<16xf32>,
      %gather3A_709 = tpu.vector_load_idx %arg12[%add3A_707, %and3A_704] : memref<256x128xf32, #tpu.memory_space<vmem>>[vector<16xi32>, vector<16xi32>], vector<16xf32>,
      %mul3A_710 = arith.mulf %gather3A_708, %gather3A_709 : vector<16xf32>
      %add3A_711 = arith.constant 16 : i32
      %add3A_712 = vector.broadcast %add3A_711 : i32 to vector<16xi32>
      %add3A_713 = arith.addi %add3A_707, %add3A_712 : vector<16xi32>
      %gather3A_714 = tpu.vector_load_idx %arg11[%add3A_713, %and3A_698] : memref<256x128xf32, #tpu.memory_space<vmem>>[vector<16xi32>, vector<16xi32>], vector<16xf32>,
      %add3A_715 = arith.constant 16 : i32
      %add3A_716 = vector.broadcast %add3A_715 : i32 to vector<16xi32>
      %add3A_717 = arith.addi %add3A_707, %add3A_716 : vector<16xi32>
      %gather3A_718 = tpu.vector_load_idx %arg12[%add3A_717, %and3A_704] : memref<256x128xf32, #tpu.memory_space<vmem>>[vector<16xi32>, vector<16xi32>], vector<16xf32>,
      %mul3A_719 = arith.mulf %gather3A_714, %gather3A_718 : vector<16xf32>
      %add3A_720 = arith.addf %mul3A_710, %mul3A_719 : vector<16xf32>
      %reduce_sum3A_721 = arith.constant true
      %reduce_sum3A_722 = vector.broadcast %reduce_sum3A_721 : i1 to vector<16xi1>
      %reduce_sum3A_723 = tpu.scan <sum>, %add3A_720 masked %reduce_sum3A_722 : vector<16xf32>, vector<16xi1> -> vector<16xf32>
      %reduce_sum3A_724 = vector.extract %reduce_sum3A_723[15] : f32 from vector<16xf32>
      %add3A_725 = arith.constant 2 : i32
      %add3A_726 = arith.addi %mul3A_605, %add3A_725 : i32
      %eq3A_727 = vector.broadcast %add3A_726 : i32 to vector<16xi32>
      %eq3A_728 = arith.cmpi eq, %iota3A, %eq3A_727 : vector<16xi32>
      %broadcast_in_dim3A_729 = vector.broadcast %reduce_sum3A_724 : f32 to vector<16xf32>
      %select_n3A_730 = arith.select %eq3A_728, %broadcast_in_dim3A_729, %select_n3A_688 : vector<16xi1>, vector<16xf32>
      %mul3A_731 = arith.constant 4 : i32
      %mul3A_732 = arith.muli %mul3A_281, %mul3A_731 : i32
      %add3A_733 = arith.constant 3 : i32
      %add3A_734 = arith.addi %mul3A_732, %add3A_733 : i32
      %add3A_735 = vector.broadcast %add3A_734 : i32 to vector<16xi32>
      %add3A_736 = arith.addi %broadcast_in_dim3A_3, %add3A_735 : vector<16xi32>
      %gather3A_737 = tpu.vector_load_idx %arg9[%add3A_736] : memref<512xi32, #tpu.memory_space<vmem>>[vector<16xi32>], vector<16xi32>,
      %and3A_738 = arith.constant 127 : i32
      %and3A_739 = vector.broadcast %and3A_738 : i32 to vector<16xi32>
      %and3A_740 = arith.andi %gather3A_737, %and3A_739 : vector<16xi32>
      %add3A_741 = vector.broadcast %add3A_734 : i32 to vector<16xi32>
      %add3A_742 = arith.addi %broadcast_in_dim3A_3, %add3A_741 : vector<16xi32>
      %gather3A_743 = tpu.vector_load_idx %arg10[%add3A_742] : memref<512xi32, #tpu.memory_space<vmem>>[vector<16xi32>], vector<16xi32>,
      %and3A_744 = arith.constant 127 : i32
      %and3A_745 = vector.broadcast %and3A_744 : i32 to vector<16xi32>
      %and3A_746 = arith.andi %gather3A_743, %and3A_745 : vector<16xi32>
      %add3A_747 = arith.constant 96 : i32
      %add3A_748 = vector.broadcast %add3A_747 : i32 to vector<16xi32>
      %add3A_749 = arith.addi %add3A_748, %iota3A : vector<16xi32>
      %gather3A_750 = tpu.vector_load_idx %arg11[%add3A_749, %and3A_740] : memref<256x128xf32, #tpu.memory_space<vmem>>[vector<16xi32>, vector<16xi32>], vector<16xf32>,
      %gather3A_751 = tpu.vector_load_idx %arg12[%add3A_749, %and3A_746] : memref<256x128xf32, #tpu.memory_space<vmem>>[vector<16xi32>, vector<16xi32>], vector<16xf32>,
      %mul3A_752 = arith.mulf %gather3A_750, %gather3A_751 : vector<16xf32>
      %add3A_753 = arith.constant 16 : i32
      %add3A_754 = vector.broadcast %add3A_753 : i32 to vector<16xi32>
      %add3A_755 = arith.addi %add3A_749, %add3A_754 : vector<16xi32>
      %gather3A_756 = tpu.vector_load_idx %arg11[%add3A_755, %and3A_740] : memref<256x128xf32, #tpu.memory_space<vmem>>[vector<16xi32>, vector<16xi32>], vector<16xf32>,
      %add3A_757 = arith.constant 16 : i32
      %add3A_758 = vector.broadcast %add3A_757 : i32 to vector<16xi32>
      %add3A_759 = arith.addi %add3A_749, %add3A_758 : vector<16xi32>
      %gather3A_760 = tpu.vector_load_idx %arg12[%add3A_759, %and3A_746] : memref<256x128xf32, #tpu.memory_space<vmem>>[vector<16xi32>, vector<16xi32>], vector<16xf32>,
      %mul3A_761 = arith.mulf %gather3A_756, %gather3A_760 : vector<16xf32>
      %add3A_762 = arith.addf %mul3A_752, %mul3A_761 : vector<16xf32>
      %reduce_sum3A_763 = arith.constant true
      %reduce_sum3A_764 = vector.broadcast %reduce_sum3A_763 : i1 to vector<16xi1>
      %reduce_sum3A_765 = tpu.scan <sum>, %add3A_762 masked %reduce_sum3A_764 : vector<16xf32>, vector<16xi1> -> vector<16xf32>
      %reduce_sum3A_766 = vector.extract %reduce_sum3A_765[15] : f32 from vector<16xf32>
      %add3A_767 = arith.constant 3 : i32
      %add3A_768 = arith.addi %mul3A_605, %add3A_767 : i32
      %eq3A_769 = vector.broadcast %add3A_768 : i32 to vector<16xi32>
      %eq3A_770 = arith.cmpi eq, %iota3A, %eq3A_769 : vector<16xi32>
      %broadcast_in_dim3A_771 = vector.broadcast %reduce_sum3A_766 : f32 to vector<16xf32>
      %select_n3A_772 = arith.select %eq3A_770, %broadcast_in_dim3A_771, %select_n3A_730 : vector<16xi1>, vector<16xf32>
      %mul3A_773 = arith.constant 16 : i32
      %mul3A_774 = arith.muli %select_n3A, %mul3A_773 : i32
      %get3A = arith.index_cast %mul3A_774 : i32 to index
      %get3A_775 = tpu.vector_load %arg15[%get3A] {strides = array<i32>} : memref<512xf32, #tpu.memory_space<vmem>>, vector<16xf32>,
      %add3A_776 = arith.addf %get3A_775, %select_n3A_772 : vector<16xf32>
      %swap3A = arith.index_cast %mul3A_774 : i32 to index
      %swap3A_777 = tpu.vector_load %arg15[%swap3A] {strides = array<i32>} : memref<512xf32, #tpu.memory_space<vmem>>, vector<16xf32>,
      tpu.vector_store %arg15[%swap3A], %add3A_776 {strides = array<i32>} : memref<512xf32, #tpu.memory_space<vmem>>, vector<16xf32>,
      %lt3A_778 = arith.constant 63 : i32
      %lt3A_779 = arith.cmpi slt, %scan3A_279, %lt3A_778 : i32
      %convert_element_type3A = arith.extui %lt3A_779 : i1 to i32
      %cond3A = arith.constant 0 : i32
      %cond3A_780 = arith.cmpi ne, %convert_element_type3A, %cond3A : i32
      scf.if %cond3A_780 {
        %add3A_1022 = arith.constant 2 : i32
        %add3A_1023 = arith.addi %mul3A_281, %add3A_1022 : i32
        %mul3A_1024 = arith.constant 4 : i32
        %mul3A_1025 = arith.muli %add3A_1023, %mul3A_1024 : i32
        %add3A_1026 = arith.constant 0 : i32
        %add3A_1027 = arith.addi %mul3A_1025, %add3A_1026 : i32
        %add3A_1028 = vector.broadcast %add3A_1027 : i32 to vector<16xi32>
        %add3A_1029 = arith.addi %broadcast_in_dim3A_3, %add3A_1028 : vector<16xi32>
        %gather3A_1030 = tpu.vector_load_idx %arg9[%add3A_1029] : memref<512xi32, #tpu.memory_space<vmem>>[vector<16xi32>], vector<16xi32>,
        %slice3A_1031 = vector.extract_strided_slice %gather3A_1030 {offsets = [0], sizes = [1], strides = [1]} : vector<16xi32> to vector<1xi32>
        %squeeze3A_1032 = vector.extract %slice3A_1031[0] : i32 from vector<1xi32>
        %add3A_1033 = vector.broadcast %add3A_1027 : i32 to vector<16xi32>
        %add3A_1034 = arith.addi %broadcast_in_dim3A_3, %add3A_1033 : vector<16xi32>
        %gather3A_1035 = tpu.vector_load_idx %arg10[%add3A_1034] : memref<512xi32, #tpu.memory_space<vmem>>[vector<16xi32>], vector<16xi32>,
        %slice3A_1036 = vector.extract_strided_slice %gather3A_1035 {offsets = [0], sizes = [1], strides = [1]} : vector<16xi32> to vector<1xi32>
        %squeeze3A_1037 = vector.extract %slice3A_1036[0] : i32 from vector<1xi32>
        %shift_right_arithmetic3A_1038 = arith.constant 7 : i32
        %shift_right_arithmetic3A_1039 = arith.shrsi %squeeze3A_1032, %shift_right_arithmetic3A_1038 : i32
        %shift_left3A_1040 = arith.constant 7 : i32
        %shift_left3A_1041 = arith.shli %shift_right_arithmetic3A_1039, %shift_left3A_1040 : i32
        %multiple_of3A_1042 = tpu.assume_multiple %shift_left3A_1041, 128 : i32
        %shift_right_arithmetic3A_1043 = arith.constant 7 : i32
        %shift_right_arithmetic3A_1044 = arith.shrsi %squeeze3A_1037, %shift_right_arithmetic3A_1043 : i32
        %shift_left3A_1045 = arith.constant 7 : i32
        %shift_left3A_1046 = arith.shli %shift_right_arithmetic3A_1044, %shift_left3A_1045 : i32
        %multiple_of3A_1047 = tpu.assume_multiple %shift_left3A_1046, 128 : i32
        %dma_start3A_1048 = arith.constant 0 : i32
        %dma_start3A_1049 = arith.constant 0 : i32
        %dma_start3A_1050 = tpu.memref_slice %arg11[%dma_start3A_1048, %dma_start3A_1049] : memref<256x128xf32, #tpu.memory_space<vmem>> -> memref<32x128xf32, #tpu.memory_space<vmem>>
        %dma_start3A_1051 = arith.constant 0 : i32
        %dma_start3A_1052 = tpu.memref_slice %arg4[%dma_start3A_1051, %multiple_of3A_1042] : memref<32x1000000xf32, #tpu.memory_space<hbm>> -> memref<32x128xf32, #tpu.memory_space<hbm>>
        %dma_start3A_1053 = arith.constant 0 : i32
        %dma_start3A_1054 = arith.constant 0 : i32
        %dma_start3A_1055 = tpu.memref_slice %arg11[%dma_start3A_1053, %dma_start3A_1054] : memref<256x128xf32, #tpu.memory_space<vmem>> -> memref<32x128xf32, #tpu.memory_space<vmem>>
        %dma_start3A_1056 = arith.constant 0 : i32
        %dma_start3A_1057 = tpu.memref_slice %arg4[%dma_start3A_1056, %multiple_of3A_1042] : memref<32x1000000xf32, #tpu.memory_space<hbm>> -> memref<32x128xf32, #tpu.memory_space<hbm>>
        tpu.enqueue_dma source(%dma_start3A_1057 : memref<32x128xf32, #tpu.memory_space<hbm>>) target(%dma_start3A_1055 : memref<32x128xf32, #tpu.memory_space<vmem>>) target_semaphore(%arg16 : memref<!tpu.dma_semaphore, #tpu.memory_space<semaphore_mem>>)
        %dma_start3A_1058 = arith.constant 0 : i32
        %dma_start3A_1059 = arith.constant 0 : i32
        %dma_start3A_1060 = tpu.memref_slice %arg12[%dma_start3A_1058, %dma_start3A_1059] : memref<256x128xf32, #tpu.memory_space<vmem>> -> memref<32x128xf32, #tpu.memory_space<vmem>>
        %dma_start3A_1061 = arith.constant 0 : i32
        %dma_start3A_1062 = tpu.memref_slice %arg5[%dma_start3A_1061, %multiple_of3A_1047] : memref<32x1000000xf32, #tpu.memory_space<hbm>> -> memref<32x128xf32, #tpu.memory_space<hbm>>
        %dma_start3A_1063 = arith.constant 0 : i32
        %dma_start3A_1064 = arith.constant 0 : i32
        %dma_start3A_1065 = tpu.memref_slice %arg12[%dma_start3A_1063, %dma_start3A_1064] : memref<256x128xf32, #tpu.memory_space<vmem>> -> memref<32x128xf32, #tpu.memory_space<vmem>>
        %dma_start3A_1066 = arith.constant 0 : i32
        %dma_start3A_1067 = tpu.memref_slice %arg5[%dma_start3A_1066, %multiple_of3A_1047] : memref<32x1000000xf32, #tpu.memory_space<hbm>> -> memref<32x128xf32, #tpu.memory_space<hbm>>
        tpu.enqueue_dma source(%dma_start3A_1067 : memref<32x128xf32, #tpu.memory_space<hbm>>) target(%dma_start3A_1065 : memref<32x128xf32, #tpu.memory_space<vmem>>) target_semaphore(%arg16 : memref<!tpu.dma_semaphore, #tpu.memory_space<semaphore_mem>>)
        %shift_right_arithmetic3A_1068 = arith.constant 3 : i32
        %shift_right_arithmetic3A_1069 = arith.shrsi %squeeze3A_1032, %shift_right_arithmetic3A_1068 : i32
        %shift_left3A_1070 = arith.constant 3 : i32
        %shift_left3A_1071 = arith.shli %shift_right_arithmetic3A_1069, %shift_left3A_1070 : i32
        %multiple_of3A_1072 = tpu.assume_multiple %shift_left3A_1071, 8 : i32
        %shift_right_arithmetic3A_1073 = arith.constant 3 : i32
        %shift_right_arithmetic3A_1074 = arith.shrsi %squeeze3A_1037, %shift_right_arithmetic3A_1073 : i32
        %shift_left3A_1075 = arith.constant 3 : i32
        %shift_left3A_1076 = arith.shli %shift_right_arithmetic3A_1074, %shift_left3A_1075 : i32
        %multiple_of3A_1077 = tpu.assume_multiple %shift_left3A_1076, 8 : i32
        %mul3A_1078 = arith.constant 8 : i32
        %mul3A_1079 = arith.muli %add3A_1027, %mul3A_1078 : i32
        %dma_start3A_1080 = tpu.memref_slice %arg13[%mul3A_1079] : memref<4096xf32, #tpu.memory_space<vmem>> -> memref<8xf32, #tpu.memory_space<vmem>>
        %dma_start3A_1081 = tpu.memref_slice %arg6[%multiple_of3A_1072] : memref<1000000xf32, #tpu.memory_space<hbm>> -> memref<8xf32, #tpu.memory_space<hbm>>
        %dma_start3A_1082 = tpu.memref_slice %arg13[%mul3A_1079] : memref<4096xf32, #tpu.memory_space<vmem>> -> memref<8xf32, #tpu.memory_space<vmem>>
        %dma_start3A_1083 = tpu.memref_slice %arg6[%multiple_of3A_1072] : memref<1000000xf32, #tpu.memory_space<hbm>> -> memref<8xf32, #tpu.memory_space<hbm>>
        tpu.enqueue_dma source(%dma_start3A_1083 : memref<8xf32, #tpu.memory_space<hbm>>) target(%dma_start3A_1082 : memref<8xf32, #tpu.memory_space<vmem>>) target_semaphore(%arg18 : memref<!tpu.dma_semaphore, #tpu.memory_space<semaphore_mem>>)
        %mul3A_1084 = arith.constant 8 : i32
        %mul3A_1085 = arith.muli %add3A_1027, %mul3A_1084 : i32
        %dma_start3A_1086 = tpu.memref_slice %arg14[%mul3A_1085] : memref<4096xf32, #tpu.memory_space<vmem>> -> memref<8xf32, #tpu.memory_space<vmem>>
        %dma_start3A_1087 = tpu.memref_slice %arg7[%multiple_of3A_1077] : memref<1000000xf32, #tpu.memory_space<hbm>> -> memref<8xf32, #tpu.memory_space<hbm>>
        %dma_start3A_1088 = tpu.memref_slice %arg14[%mul3A_1085] : memref<4096xf32, #tpu.memory_space<vmem>> -> memref<8xf32, #tpu.memory_space<vmem>>
        %dma_start3A_1089 = tpu.memref_slice %arg7[%multiple_of3A_1077] : memref<1000000xf32, #tpu.memory_space<hbm>> -> memref<8xf32, #tpu.memory_space<hbm>>
        tpu.enqueue_dma source(%dma_start3A_1089 : memref<8xf32, #tpu.memory_space<hbm>>) target(%dma_start3A_1088 : memref<8xf32, #tpu.memory_space<vmem>>) target_semaphore(%arg18 : memref<!tpu.dma_semaphore, #tpu.memory_space<semaphore_mem>>)
        %mul3A_1090 = arith.constant 4 : i32
        %mul3A_1091 = arith.muli %add3A_1023, %mul3A_1090 : i32
        %add3A_1092 = arith.constant 1 : i32
        %add3A_1093 = arith.addi %mul3A_1091, %add3A_1092 : i32
        %add3A_1094 = vector.broadcast %add3A_1093 : i32 to vector<16xi32>
        %add3A_1095 = arith.addi %broadcast_in_dim3A_3, %add3A_1094 : vector<16xi32>
        %gather3A_1096 = tpu.vector_load_idx %arg9[%add3A_1095] : memref<512xi32, #tpu.memory_space<vmem>>[vector<16xi32>], vector<16xi32>,
        %slice3A_1097 = vector.extract_strided_slice %gather3A_1096 {offsets = [0], sizes = [1], strides = [1]} : vector<16xi32> to vector<1xi32>
        %squeeze3A_1098 = vector.extract %slice3A_1097[0] : i32 from vector<1xi32>
        %add3A_1099 = vector.broadcast %add3A_1093 : i32 to vector<16xi32>
        %add3A_1100 = arith.addi %broadcast_in_dim3A_3, %add3A_1099 : vector<16xi32>
        %gather3A_1101 = tpu.vector_load_idx %arg10[%add3A_1100] : memref<512xi32, #tpu.memory_space<vmem>>[vector<16xi32>], vector<16xi32>,
        %slice3A_1102 = vector.extract_strided_slice %gather3A_1101 {offsets = [0], sizes = [1], strides = [1]} : vector<16xi32> to vector<1xi32>
        %squeeze3A_1103 = vector.extract %slice3A_1102[0] : i32 from vector<1xi32>
        %shift_right_arithmetic3A_1104 = arith.constant 7 : i32
        %shift_right_arithmetic3A_1105 = arith.shrsi %squeeze3A_1098, %shift_right_arithmetic3A_1104 : i32
        %shift_left3A_1106 = arith.constant 7 : i32
        %shift_left3A_1107 = arith.shli %shift_right_arithmetic3A_1105, %shift_left3A_1106 : i32
        %multiple_of3A_1108 = tpu.assume_multiple %shift_left3A_1107, 128 : i32
        %shift_right_arithmetic3A_1109 = arith.constant 7 : i32
        %shift_right_arithmetic3A_1110 = arith.shrsi %squeeze3A_1103, %shift_right_arithmetic3A_1109 : i32
        %shift_left3A_1111 = arith.constant 7 : i32
        %shift_left3A_1112 = arith.shli %shift_right_arithmetic3A_1110, %shift_left3A_1111 : i32
        %multiple_of3A_1113 = tpu.assume_multiple %shift_left3A_1112, 128 : i32
        %dma_start3A_1114 = arith.constant 32 : i32
        %dma_start3A_1115 = arith.constant 0 : i32
        %dma_start3A_1116 = tpu.memref_slice %arg11[%dma_start3A_1114, %dma_start3A_1115] : memref<256x128xf32, #tpu.memory_space<vmem>> -> memref<32x128xf32, #tpu.memory_space<vmem>>
        %dma_start3A_1117 = arith.constant 0 : i32
        %dma_start3A_1118 = tpu.memref_slice %arg4[%dma_start3A_1117, %multiple_of3A_1108] : memref<32x1000000xf32, #tpu.memory_space<hbm>> -> memref<32x128xf32, #tpu.memory_space<hbm>>
        %dma_start3A_1119 = arith.constant 32 : i32
        %dma_start3A_1120 = arith.constant 0 : i32
        %dma_start3A_1121 = tpu.memref_slice %arg11[%dma_start3A_1119, %dma_start3A_1120] : memref<256x128xf32, #tpu.memory_space<vmem>> -> memref<32x128xf32, #tpu.memory_space<vmem>>
        %dma_start3A_1122 = arith.constant 0 : i32
        %dma_start3A_1123 = tpu.memref_slice %arg4[%dma_start3A_1122, %multiple_of3A_1108] : memref<32x1000000xf32, #tpu.memory_space<hbm>> -> memref<32x128xf32, #tpu.memory_space<hbm>>
        tpu.enqueue_dma source(%dma_start3A_1123 : memref<32x128xf32, #tpu.memory_space<hbm>>) target(%dma_start3A_1121 : memref<32x128xf32, #tpu.memory_space<vmem>>) target_semaphore(%arg16 : memref<!tpu.dma_semaphore, #tpu.memory_space<semaphore_mem>>)
        %dma_start3A_1124 = arith.constant 32 : i32
        %dma_start3A_1125 = arith.constant 0 : i32
        %dma_start3A_1126 = tpu.memref_slice %arg12[%dma_start3A_1124, %dma_start3A_1125] : memref<256x128xf32, #tpu.memory_space<vmem>> -> memref<32x128xf32, #tpu.memory_space<vmem>>
        %dma_start3A_1127 = arith.constant 0 : i32
        %dma_start3A_1128 = tpu.memref_slice %arg5[%dma_start3A_1127, %multiple_of3A_1113] : memref<32x1000000xf32, #tpu.memory_space<hbm>> -> memref<32x128xf32, #tpu.memory_space<hbm>>
        %dma_start3A_1129 = arith.constant 32 : i32
        %dma_start3A_1130 = arith.constant 0 : i32
        %dma_start3A_1131 = tpu.memref_slice %arg12[%dma_start3A_1129, %dma_start3A_1130] : memref<256x128xf32, #tpu.memory_space<vmem>> -> memref<32x128xf32, #tpu.memory_space<vmem>>
        %dma_start3A_1132 = arith.constant 0 : i32
        %dma_start3A_1133 = tpu.memref_slice %arg5[%dma_start3A_1132, %multiple_of3A_1113] : memref<32x1000000xf32, #tpu.memory_space<hbm>> -> memref<32x128xf32, #tpu.memory_space<hbm>>
        tpu.enqueue_dma source(%dma_start3A_1133 : memref<32x128xf32, #tpu.memory_space<hbm>>) target(%dma_start3A_1131 : memref<32x128xf32, #tpu.memory_space<vmem>>) target_semaphore(%arg16 : memref<!tpu.dma_semaphore, #tpu.memory_space<semaphore_mem>>)
        %shift_right_arithmetic3A_1134 = arith.constant 3 : i32
        %shift_right_arithmetic3A_1135 = arith.shrsi %squeeze3A_1098, %shift_right_arithmetic3A_1134 : i32
        %shift_left3A_1136 = arith.constant 3 : i32
        %shift_left3A_1137 = arith.shli %shift_right_arithmetic3A_1135, %shift_left3A_1136 : i32
        %multiple_of3A_1138 = tpu.assume_multiple %shift_left3A_1137, 8 : i32
        %shift_right_arithmetic3A_1139 = arith.constant 3 : i32
        %shift_right_arithmetic3A_1140 = arith.shrsi %squeeze3A_1103, %shift_right_arithmetic3A_1139 : i32
        %shift_left3A_1141 = arith.constant 3 : i32
        %shift_left3A_1142 = arith.shli %shift_right_arithmetic3A_1140, %shift_left3A_1141 : i32
        %multiple_of3A_1143 = tpu.assume_multiple %shift_left3A_1142, 8 : i32
        %mul3A_1144 = arith.constant 8 : i32
        %mul3A_1145 = arith.muli %add3A_1093, %mul3A_1144 : i32
        %dma_start3A_1146 = tpu.memref_slice %arg13[%mul3A_1145] : memref<4096xf32, #tpu.memory_space<vmem>> -> memref<8xf32, #tpu.memory_space<vmem>>
        %dma_start3A_1147 = tpu.memref_slice %arg6[%multiple_of3A_1138] : memref<1000000xf32, #tpu.memory_space<hbm>> -> memref<8xf32, #tpu.memory_space<hbm>>
        %dma_start3A_1148 = tpu.memref_slice %arg13[%mul3A_1145] : memref<4096xf32, #tpu.memory_space<vmem>> -> memref<8xf32, #tpu.memory_space<vmem>>
        %dma_start3A_1149 = tpu.memref_slice %arg6[%multiple_of3A_1138] : memref<1000000xf32, #tpu.memory_space<hbm>> -> memref<8xf32, #tpu.memory_space<hbm>>
        tpu.enqueue_dma source(%dma_start3A_1149 : memref<8xf32, #tpu.memory_space<hbm>>) target(%dma_start3A_1148 : memref<8xf32, #tpu.memory_space<vmem>>) target_semaphore(%arg18 : memref<!tpu.dma_semaphore, #tpu.memory_space<semaphore_mem>>)
        %mul3A_1150 = arith.constant 8 : i32
        %mul3A_1151 = arith.muli %add3A_1093, %mul3A_1150 : i32
        %dma_start3A_1152 = tpu.memref_slice %arg14[%mul3A_1151] : memref<4096xf32, #tpu.memory_space<vmem>> -> memref<8xf32, #tpu.memory_space<vmem>>
        %dma_start3A_1153 = tpu.memref_slice %arg7[%multiple_of3A_1143] : memref<1000000xf32, #tpu.memory_space<hbm>> -> memref<8xf32, #tpu.memory_space<hbm>>
        %dma_start3A_1154 = tpu.memref_slice %arg14[%mul3A_1151] : memref<4096xf32, #tpu.memory_space<vmem>> -> memref<8xf32, #tpu.memory_space<vmem>>
        %dma_start3A_1155 = tpu.memref_slice %arg7[%multiple_of3A_1143] : memref<1000000xf32, #tpu.memory_space<hbm>> -> memref<8xf32, #tpu.memory_space<hbm>>
        tpu.enqueue_dma source(%dma_start3A_1155 : memref<8xf32, #tpu.memory_space<hbm>>) target(%dma_start3A_1154 : memref<8xf32, #tpu.memory_space<vmem>>) target_semaphore(%arg18 : memref<!tpu.dma_semaphore, #tpu.memory_space<semaphore_mem>>)
        %mul3A_1156 = arith.constant 4 : i32
        %mul3A_1157 = arith.muli %add3A_1023, %mul3A_1156 : i32
        %add3A_1158 = arith.constant 2 : i32
        %add3A_1159 = arith.addi %mul3A_1157, %add3A_1158 : i32
        %add3A_1160 = vector.broadcast %add3A_1159 : i32 to vector<16xi32>
        %add3A_1161 = arith.addi %broadcast_in_dim3A_3, %add3A_1160 : vector<16xi32>
        %gather3A_1162 = tpu.vector_load_idx %arg9[%add3A_1161] : memref<512xi32, #tpu.memory_space<vmem>>[vector<16xi32>], vector<16xi32>,
        %slice3A_1163 = vector.extract_strided_slice %gather3A_1162 {offsets = [0], sizes = [1], strides = [1]} : vector<16xi32> to vector<1xi32>
        %squeeze3A_1164 = vector.extract %slice3A_1163[0] : i32 from vector<1xi32>
        %add3A_1165 = vector.broadcast %add3A_1159 : i32 to vector<16xi32>
        %add3A_1166 = arith.addi %broadcast_in_dim3A_3, %add3A_1165 : vector<16xi32>
        %gather3A_1167 = tpu.vector_load_idx %arg10[%add3A_1166] : memref<512xi32, #tpu.memory_space<vmem>>[vector<16xi32>], vector<16xi32>,
        %slice3A_1168 = vector.extract_strided_slice %gather3A_1167 {offsets = [0], sizes = [1], strides = [1]} : vector<16xi32> to vector<1xi32>
        %squeeze3A_1169 = vector.extract %slice3A_1168[0] : i32 from vector<1xi32>
        %shift_right_arithmetic3A_1170 = arith.constant 7 : i32
        %shift_right_arithmetic3A_1171 = arith.shrsi %squeeze3A_1164, %shift_right_arithmetic3A_1170 : i32
        %shift_left3A_1172 = arith.constant 7 : i32
        %shift_left3A_1173 = arith.shli %shift_right_arithmetic3A_1171, %shift_left3A_1172 : i32
        %multiple_of3A_1174 = tpu.assume_multiple %shift_left3A_1173, 128 : i32
        %shift_right_arithmetic3A_1175 = arith.constant 7 : i32
        %shift_right_arithmetic3A_1176 = arith.shrsi %squeeze3A_1169, %shift_right_arithmetic3A_1175 : i32
        %shift_left3A_1177 = arith.constant 7 : i32
        %shift_left3A_1178 = arith.shli %shift_right_arithmetic3A_1176, %shift_left3A_1177 : i32
        %multiple_of3A_1179 = tpu.assume_multiple %shift_left3A_1178, 128 : i32
        %dma_start3A_1180 = arith.constant 64 : i32
        %dma_start3A_1181 = arith.constant 0 : i32
        %dma_start3A_1182 = tpu.memref_slice %arg11[%dma_start3A_1180, %dma_start3A_1181] : memref<256x128xf32, #tpu.memory_space<vmem>> -> memref<32x128xf32, #tpu.memory_space<vmem>>
        %dma_start3A_1183 = arith.constant 0 : i32
        %dma_start3A_1184 = tpu.memref_slice %arg4[%dma_start3A_1183, %multiple_of3A_1174] : memref<32x1000000xf32, #tpu.memory_space<hbm>> -> memref<32x128xf32, #tpu.memory_space<hbm>>
        %dma_start3A_1185 = arith.constant 64 : i32
        %dma_start3A_1186 = arith.constant 0 : i32
        %dma_start3A_1187 = tpu.memref_slice %arg11[%dma_start3A_1185, %dma_start3A_1186] : memref<256x128xf32, #tpu.memory_space<vmem>> -> memref<32x128xf32, #tpu.memory_space<vmem>>
        %dma_start3A_1188 = arith.constant 0 : i32
        %dma_start3A_1189 = tpu.memref_slice %arg4[%dma_start3A_1188, %multiple_of3A_1174] : memref<32x1000000xf32, #tpu.memory_space<hbm>> -> memref<32x128xf32, #tpu.memory_space<hbm>>
        tpu.enqueue_dma source(%dma_start3A_1189 : memref<32x128xf32, #tpu.memory_space<hbm>>) target(%dma_start3A_1187 : memref<32x128xf32, #tpu.memory_space<vmem>>) target_semaphore(%arg16 : memref<!tpu.dma_semaphore, #tpu.memory_space<semaphore_mem>>)
        %dma_start3A_1190 = arith.constant 64 : i32
        %dma_start3A_1191 = arith.constant 0 : i32
        %dma_start3A_1192 = tpu.memref_slice %arg12[%dma_start3A_1190, %dma_start3A_1191] : memref<256x128xf32, #tpu.memory_space<vmem>> -> memref<32x128xf32, #tpu.memory_space<vmem>>
        %dma_start3A_1193 = arith.constant 0 : i32
        %dma_start3A_1194 = tpu.memref_slice %arg5[%dma_start3A_1193, %multiple_of3A_1179] : memref<32x1000000xf32, #tpu.memory_space<hbm>> -> memref<32x128xf32, #tpu.memory_space<hbm>>
        %dma_start3A_1195 = arith.constant 64 : i32
        %dma_start3A_1196 = arith.constant 0 : i32
        %dma_start3A_1197 = tpu.memref_slice %arg12[%dma_start3A_1195, %dma_start3A_1196] : memref<256x128xf32, #tpu.memory_space<vmem>> -> memref<32x128xf32, #tpu.memory_space<vmem>>
        %dma_start3A_1198 = arith.constant 0 : i32
        %dma_start3A_1199 = tpu.memref_slice %arg5[%dma_start3A_1198, %multiple_of3A_1179] : memref<32x1000000xf32, #tpu.memory_space<hbm>> -> memref<32x128xf32, #tpu.memory_space<hbm>>
        tpu.enqueue_dma source(%dma_start3A_1199 : memref<32x128xf32, #tpu.memory_space<hbm>>) target(%dma_start3A_1197 : memref<32x128xf32, #tpu.memory_space<vmem>>) target_semaphore(%arg16 : memref<!tpu.dma_semaphore, #tpu.memory_space<semaphore_mem>>)
        %shift_right_arithmetic3A_1200 = arith.constant 3 : i32
        %shift_right_arithmetic3A_1201 = arith.shrsi %squeeze3A_1164, %shift_right_arithmetic3A_1200 : i32
        %shift_left3A_1202 = arith.constant 3 : i32
        %shift_left3A_1203 = arith.shli %shift_right_arithmetic3A_1201, %shift_left3A_1202 : i32
        %multiple_of3A_1204 = tpu.assume_multiple %shift_left3A_1203, 8 : i32
        %shift_right_arithmetic3A_1205 = arith.constant 3 : i32
        %shift_right_arithmetic3A_1206 = arith.shrsi %squeeze3A_1169, %shift_right_arithmetic3A_1205 : i32
        %shift_left3A_1207 = arith.constant 3 : i32
        %shift_left3A_1208 = arith.shli %shift_right_arithmetic3A_1206, %shift_left3A_1207 : i32
        %multiple_of3A_1209 = tpu.assume_multiple %shift_left3A_1208, 8 : i32
        %mul3A_1210 = arith.constant 8 : i32
        %mul3A_1211 = arith.muli %add3A_1159, %mul3A_1210 : i32
        %dma_start3A_1212 = tpu.memref_slice %arg13[%mul3A_1211] : memref<4096xf32, #tpu.memory_space<vmem>> -> memref<8xf32, #tpu.memory_space<vmem>>
        %dma_start3A_1213 = tpu.memref_slice %arg6[%multiple_of3A_1204] : memref<1000000xf32, #tpu.memory_space<hbm>> -> memref<8xf32, #tpu.memory_space<hbm>>
        %dma_start3A_1214 = tpu.memref_slice %arg13[%mul3A_1211] : memref<4096xf32, #tpu.memory_space<vmem>> -> memref<8xf32, #tpu.memory_space<vmem>>
        %dma_start3A_1215 = tpu.memref_slice %arg6[%multiple_of3A_1204] : memref<1000000xf32, #tpu.memory_space<hbm>> -> memref<8xf32, #tpu.memory_space<hbm>>
        tpu.enqueue_dma source(%dma_start3A_1215 : memref<8xf32, #tpu.memory_space<hbm>>) target(%dma_start3A_1214 : memref<8xf32, #tpu.memory_space<vmem>>) target_semaphore(%arg18 : memref<!tpu.dma_semaphore, #tpu.memory_space<semaphore_mem>>)
        %mul3A_1216 = arith.constant 8 : i32
        %mul3A_1217 = arith.muli %add3A_1159, %mul3A_1216 : i32
        %dma_start3A_1218 = tpu.memref_slice %arg14[%mul3A_1217] : memref<4096xf32, #tpu.memory_space<vmem>> -> memref<8xf32, #tpu.memory_space<vmem>>
        %dma_start3A_1219 = tpu.memref_slice %arg7[%multiple_of3A_1209] : memref<1000000xf32, #tpu.memory_space<hbm>> -> memref<8xf32, #tpu.memory_space<hbm>>
        %dma_start3A_1220 = tpu.memref_slice %arg14[%mul3A_1217] : memref<4096xf32, #tpu.memory_space<vmem>> -> memref<8xf32, #tpu.memory_space<vmem>>
        %dma_start3A_1221 = tpu.memref_slice %arg7[%multiple_of3A_1209] : memref<1000000xf32, #tpu.memory_space<hbm>> -> memref<8xf32, #tpu.memory_space<hbm>>
        tpu.enqueue_dma source(%dma_start3A_1221 : memref<8xf32, #tpu.memory_space<hbm>>) target(%dma_start3A_1220 : memref<8xf32, #tpu.memory_space<vmem>>) target_semaphore(%arg18 : memref<!tpu.dma_semaphore, #tpu.memory_space<semaphore_mem>>)
        %mul3A_1222 = arith.constant 4 : i32
        %mul3A_1223 = arith.muli %add3A_1023, %mul3A_1222 : i32
        %add3A_1224 = arith.constant 3 : i32
        %add3A_1225 = arith.addi %mul3A_1223, %add3A_1224 : i32
        %add3A_1226 = vector.broadcast %add3A_1225 : i32 to vector<16xi32>
        %add3A_1227 = arith.addi %broadcast_in_dim3A_3, %add3A_1226 : vector<16xi32>
        %gather3A_1228 = tpu.vector_load_idx %arg9[%add3A_1227] : memref<512xi32, #tpu.memory_space<vmem>>[vector<16xi32>], vector<16xi32>,
        %slice3A_1229 = vector.extract_strided_slice %gather3A_1228 {offsets = [0], sizes = [1], strides = [1]} : vector<16xi32> to vector<1xi32>
        %squeeze3A_1230 = vector.extract %slice3A_1229[0] : i32 from vector<1xi32>
        %add3A_1231 = vector.broadcast %add3A_1225 : i32 to vector<16xi32>
        %add3A_1232 = arith.addi %broadcast_in_dim3A_3, %add3A_1231 : vector<16xi32>
        %gather3A_1233 = tpu.vector_load_idx %arg10[%add3A_1232] : memref<512xi32, #tpu.memory_space<vmem>>[vector<16xi32>], vector<16xi32>,
        %slice3A_1234 = vector.extract_strided_slice %gather3A_1233 {offsets = [0], sizes = [1], strides = [1]} : vector<16xi32> to vector<1xi32>
        %squeeze3A_1235 = vector.extract %slice3A_1234[0] : i32 from vector<1xi32>
        %shift_right_arithmetic3A_1236 = arith.constant 7 : i32
        %shift_right_arithmetic3A_1237 = arith.shrsi %squeeze3A_1230, %shift_right_arithmetic3A_1236 : i32
        %shift_left3A_1238 = arith.constant 7 : i32
        %shift_left3A_1239 = arith.shli %shift_right_arithmetic3A_1237, %shift_left3A_1238 : i32
        %multiple_of3A_1240 = tpu.assume_multiple %shift_left3A_1239, 128 : i32
        %shift_right_arithmetic3A_1241 = arith.constant 7 : i32
        %shift_right_arithmetic3A_1242 = arith.shrsi %squeeze3A_1235, %shift_right_arithmetic3A_1241 : i32
        %shift_left3A_1243 = arith.constant 7 : i32
        %shift_left3A_1244 = arith.shli %shift_right_arithmetic3A_1242, %shift_left3A_1243 : i32
        %multiple_of3A_1245 = tpu.assume_multiple %shift_left3A_1244, 128 : i32
        %dma_start3A_1246 = arith.constant 96 : i32
        %dma_start3A_1247 = arith.constant 0 : i32
        %dma_start3A_1248 = tpu.memref_slice %arg11[%dma_start3A_1246, %dma_start3A_1247] : memref<256x128xf32, #tpu.memory_space<vmem>> -> memref<32x128xf32, #tpu.memory_space<vmem>>
        %dma_start3A_1249 = arith.constant 0 : i32
        %dma_start3A_1250 = tpu.memref_slice %arg4[%dma_start3A_1249, %multiple_of3A_1240] : memref<32x1000000xf32, #tpu.memory_space<hbm>> -> memref<32x128xf32, #tpu.memory_space<hbm>>
        %dma_start3A_1251 = arith.constant 96 : i32
        %dma_start3A_1252 = arith.constant 0 : i32
        %dma_start3A_1253 = tpu.memref_slice %arg11[%dma_start3A_1251, %dma_start3A_1252] : memref<256x128xf32, #tpu.memory_space<vmem>> -> memref<32x128xf32, #tpu.memory_space<vmem>>
        %dma_start3A_1254 = arith.constant 0 : i32
        %dma_start3A_1255 = tpu.memref_slice %arg4[%dma_start3A_1254, %multiple_of3A_1240] : memref<32x1000000xf32, #tpu.memory_space<hbm>> -> memref<32x128xf32, #tpu.memory_space<hbm>>
        tpu.enqueue_dma source(%dma_start3A_1255 : memref<32x128xf32, #tpu.memory_space<hbm>>) target(%dma_start3A_1253 : memref<32x128xf32, #tpu.memory_space<vmem>>) target_semaphore(%arg16 : memref<!tpu.dma_semaphore, #tpu.memory_space<semaphore_mem>>)
        %dma_start3A_1256 = arith.constant 96 : i32
        %dma_start3A_1257 = arith.constant 0 : i32
        %dma_start3A_1258 = tpu.memref_slice %arg12[%dma_start3A_1256, %dma_start3A_1257] : memref<256x128xf32, #tpu.memory_space<vmem>> -> memref<32x128xf32, #tpu.memory_space<vmem>>
        %dma_start3A_1259 = arith.constant 0 : i32
        %dma_start3A_1260 = tpu.memref_slice %arg5[%dma_start3A_1259, %multiple_of3A_1245] : memref<32x1000000xf32, #tpu.memory_space<hbm>> -> memref<32x128xf32, #tpu.memory_space<hbm>>
        %dma_start3A_1261 = arith.constant 96 : i32
        %dma_start3A_1262 = arith.constant 0 : i32
        %dma_start3A_1263 = tpu.memref_slice %arg12[%dma_start3A_1261, %dma_start3A_1262] : memref<256x128xf32, #tpu.memory_space<vmem>> -> memref<32x128xf32, #tpu.memory_space<vmem>>
        %dma_start3A_1264 = arith.constant 0 : i32
        %dma_start3A_1265 = tpu.memref_slice %arg5[%dma_start3A_1264, %multiple_of3A_1245] : memref<32x1000000xf32, #tpu.memory_space<hbm>> -> memref<32x128xf32, #tpu.memory_space<hbm>>
        tpu.enqueue_dma source(%dma_start3A_1265 : memref<32x128xf32, #tpu.memory_space<hbm>>) target(%dma_start3A_1263 : memref<32x128xf32, #tpu.memory_space<vmem>>) target_semaphore(%arg16 : memref<!tpu.dma_semaphore, #tpu.memory_space<semaphore_mem>>)
        %shift_right_arithmetic3A_1266 = arith.constant 3 : i32
        %shift_right_arithmetic3A_1267 = arith.shrsi %squeeze3A_1230, %shift_right_arithmetic3A_1266 : i32
        %shift_left3A_1268 = arith.constant 3 : i32
        %shift_left3A_1269 = arith.shli %shift_right_arithmetic3A_1267, %shift_left3A_1268 : i32
        %multiple_of3A_1270 = tpu.assume_multiple %shift_left3A_1269, 8 : i32
        %shift_right_arithmetic3A_1271 = arith.constant 3 : i32
        %shift_right_arithmetic3A_1272 = arith.shrsi %squeeze3A_1235, %shift_right_arithmetic3A_1271 : i32
        %shift_left3A_1273 = arith.constant 3 : i32
        %shift_left3A_1274 = arith.shli %shift_right_arithmetic3A_1272, %shift_left3A_1273 : i32
        %multiple_of3A_1275 = tpu.assume_multiple %shift_left3A_1274, 8 : i32
        %mul3A_1276 = arith.constant 8 : i32
        %mul3A_1277 = arith.muli %add3A_1225, %mul3A_1276 : i32
        %dma_start3A_1278 = tpu.memref_slice %arg13[%mul3A_1277] : memref<4096xf32, #tpu.memory_space<vmem>> -> memref<8xf32, #tpu.memory_space<vmem>>
        %dma_start3A_1279 = tpu.memref_slice %arg6[%multiple_of3A_1270] : memref<1000000xf32, #tpu.memory_space<hbm>> -> memref<8xf32, #tpu.memory_space<hbm>>
        %dma_start3A_1280 = tpu.memref_slice %arg13[%mul3A_1277] : memref<4096xf32, #tpu.memory_space<vmem>> -> memref<8xf32, #tpu.memory_space<vmem>>
        %dma_start3A_1281 = tpu.memref_slice %arg6[%multiple_of3A_1270] : memref<1000000xf32, #tpu.memory_space<hbm>> -> memref<8xf32, #tpu.memory_space<hbm>>
        tpu.enqueue_dma source(%dma_start3A_1281 : memref<8xf32, #tpu.memory_space<hbm>>) target(%dma_start3A_1280 : memref<8xf32, #tpu.memory_space<vmem>>) target_semaphore(%arg18 : memref<!tpu.dma_semaphore, #tpu.memory_space<semaphore_mem>>)
        %mul3A_1282 = arith.constant 8 : i32
        %mul3A_1283 = arith.muli %add3A_1225, %mul3A_1282 : i32
        %dma_start3A_1284 = tpu.memref_slice %arg14[%mul3A_1283] : memref<4096xf32, #tpu.memory_space<vmem>> -> memref<8xf32, #tpu.memory_space<vmem>>
        %dma_start3A_1285 = tpu.memref_slice %arg7[%multiple_of3A_1275] : memref<1000000xf32, #tpu.memory_space<hbm>> -> memref<8xf32, #tpu.memory_space<hbm>>
        %dma_start3A_1286 = tpu.memref_slice %arg14[%mul3A_1283] : memref<4096xf32, #tpu.memory_space<vmem>> -> memref<8xf32, #tpu.memory_space<vmem>>
        %dma_start3A_1287 = tpu.memref_slice %arg7[%multiple_of3A_1275] : memref<1000000xf32, #tpu.memory_space<hbm>> -> memref<8xf32, #tpu.memory_space<hbm>>
        tpu.enqueue_dma source(%dma_start3A_1287 : memref<8xf32, #tpu.memory_space<hbm>>) target(%dma_start3A_1286 : memref<8xf32, #tpu.memory_space<vmem>>) target_semaphore(%arg18 : memref<!tpu.dma_semaphore, #tpu.memory_space<semaphore_mem>>)
      } else {
      }
      %dma_wait3A_781 = arith.constant 128 : i32
      %dma_wait3A_782 = arith.constant 0 : i32
      %dma_wait3A_783 = tpu.memref_slice %arg11[%dma_wait3A_781, %dma_wait3A_782] : memref<256x128xf32, #tpu.memory_space<vmem>> -> memref<128x128xf32, #tpu.memory_space<vmem>>
      %dma_wait3A_784 = arith.constant 0 : i32
      %dma_wait3A_785 = arith.constant 0 : i32
      %dma_wait3A_786 = tpu.memref_slice %arg4[%dma_wait3A_784, %dma_wait3A_785] : memref<32x1000000xf32, #tpu.memory_space<hbm>> -> memref<32x512xf32, #tpu.memory_space<hbm>>
      %dma_wait3A_787 = arith.constant 128 : i32
      %dma_wait3A_788 = arith.constant 0 : i32
      %dma_wait3A_789 = tpu.memref_slice %arg11[%dma_wait3A_787, %dma_wait3A_788] : memref<256x128xf32, #tpu.memory_space<vmem>> -> memref<128x128xf32, #tpu.memory_space<vmem>>
      %dma_wait3A_790 = arith.constant 0 : i32
      %dma_wait3A_791 = arith.constant 0 : i32
      %dma_wait3A_792 = tpu.memref_slice %arg4[%dma_wait3A_790, %dma_wait3A_791] : memref<32x1000000xf32, #tpu.memory_space<hbm>> -> memref<32x512xf32, #tpu.memory_space<hbm>>
      tpu.wait_dma2 semaphore(%arg17 : memref<!tpu.dma_semaphore, #tpu.memory_space<semaphore_mem>>) src(%dma_wait3A_792 : memref<32x512xf32, #tpu.memory_space<hbm>>) dst(%dma_wait3A_789 : memref<128x128xf32, #tpu.memory_space<vmem>>)
      %dma_wait3A_793 = arith.constant 128 : i32
      %dma_wait3A_794 = arith.constant 0 : i32
      %dma_wait3A_795 = tpu.memref_slice %arg12[%dma_wait3A_793, %dma_wait3A_794] : memref<256x128xf32, #tpu.memory_space<vmem>> -> memref<128x128xf32, #tpu.memory_space<vmem>>
      %dma_wait3A_796 = arith.constant 0 : i32
      %dma_wait3A_797 = arith.constant 0 : i32
      %dma_wait3A_798 = tpu.memref_slice %arg4[%dma_wait3A_796, %dma_wait3A_797] : memref<32x1000000xf32, #tpu.memory_space<hbm>> -> memref<32x512xf32, #tpu.memory_space<hbm>>
      %dma_wait3A_799 = arith.constant 128 : i32
      %dma_wait3A_800 = arith.constant 0 : i32
      %dma_wait3A_801 = tpu.memref_slice %arg12[%dma_wait3A_799, %dma_wait3A_800] : memref<256x128xf32, #tpu.memory_space<vmem>> -> memref<128x128xf32, #tpu.memory_space<vmem>>
      %dma_wait3A_802 = arith.constant 0 : i32
      %dma_wait3A_803 = arith.constant 0 : i32
      %dma_wait3A_804 = tpu.memref_slice %arg4[%dma_wait3A_802, %dma_wait3A_803] : memref<32x1000000xf32, #tpu.memory_space<hbm>> -> memref<32x512xf32, #tpu.memory_space<hbm>>
      tpu.wait_dma2 semaphore(%arg17 : memref<!tpu.dma_semaphore, #tpu.memory_space<semaphore_mem>>) src(%dma_wait3A_804 : memref<32x512xf32, #tpu.memory_space<hbm>>) dst(%dma_wait3A_801 : memref<128x128xf32, #tpu.memory_space<vmem>>)
      %jit3A_805 = arith.constant 4 : i32
      %div3A_806 = arith.divsi %add3A_285, %jit3A_805 : i32
      %sign3A_807 = arith.constant 0 : i32
      %sign3A_808 = arith.cmpi sgt, %add3A_285, %sign3A_807 : i32
      %sign3A_809 = arith.extui %sign3A_808 : i1 to i32
      %sign3A_810 = arith.constant 0 : i32
      %sign3A_811 = arith.cmpi slt, %add3A_285, %sign3A_810 : i32
      %sign3A_812 = arith.extui %sign3A_811 : i1 to i32
      %sign3A_813 = arith.subi %sign3A_809, %sign3A_812 : i32
      %sign3A_814 = arith.constant 0 : i32
      %sign3A_815 = arith.cmpi sgt, %jit3A_805, %sign3A_814 : i32
      %sign3A_816 = arith.extui %sign3A_815 : i1 to i32
      %sign3A_817 = arith.constant 0 : i32
      %sign3A_818 = arith.cmpi slt, %jit3A_805, %sign3A_817 : i32
      %sign3A_819 = arith.extui %sign3A_818 : i1 to i32
      %sign3A_820 = arith.subi %sign3A_816, %sign3A_819 : i32
      %ne3A_821 = arith.cmpi ne, %sign3A_813, %sign3A_820 : i32
      %rem3A_822 = arith.remsi %add3A_285, %jit3A_805 : i32
      %ne3A_823 = arith.constant 0 : i32
      %ne3A_824 = arith.cmpi ne, %rem3A_822, %ne3A_823 : i32
      %and3A_825 = arith.andi %ne3A_821, %ne3A_824 : i1
      %sub3A_826 = arith.constant 1 : i32
      %sub3A_827 = arith.subi %div3A_806, %sub3A_826 : i32
      %select_n3A_828 = arith.select %and3A_825, %sub3A_827, %div3A_806 : i32
      %jit3A_829 = arith.constant 4 : i32
      %eq3A_830 = arith.constant 0 : i32
      %eq3A_831 = arith.cmpi eq, %jit3A_829, %eq3A_830 : i32
      %jit3A_832 = arith.constant 1 : i32
      %select_n3A_833 = arith.select %eq3A_831, %jit3A_832, %jit3A_829 : i32
      %rem3A_834 = arith.remsi %add3A_285, %select_n3A_833 : i32
      %ne3A_835 = arith.constant 0 : i32
      %ne3A_836 = arith.cmpi ne, %rem3A_834, %ne3A_835 : i32
      %lt3A_837 = arith.constant 0 : i32
      %lt3A_838 = arith.cmpi slt, %rem3A_834, %lt3A_837 : i32
      %lt3A_839 = arith.constant 0 : i32
      %lt3A_840 = arith.cmpi slt, %select_n3A_833, %lt3A_839 : i32
      %ne3A_841 = arith.xori %lt3A_838, %lt3A_840 : i1
      %and3A_842 = arith.andi %ne3A_841, %ne3A_836 : i1
      %add3A_843 = arith.addi %rem3A_834, %select_n3A_833 : i32
      %select_n3A_844 = arith.select %and3A_842, %add3A_843, %rem3A_834 : i32
      %mul3A_845 = arith.constant 4 : i32
      %mul3A_846 = arith.muli %select_n3A_844, %mul3A_845 : i32
      %mul3A_847 = arith.constant 4 : i32
      %mul3A_848 = arith.muli %add3A_285, %mul3A_847 : i32
      %add3A_849 = arith.constant 0 : i32
      %add3A_850 = arith.addi %mul3A_848, %add3A_849 : i32
      %add3A_851 = vector.broadcast %add3A_850 : i32 to vector<16xi32>
      %add3A_852 = arith.addi %broadcast_in_dim3A_3, %add3A_851 : vector<16xi32>
      %gather3A_853 = tpu.vector_load_idx %arg9[%add3A_852] : memref<512xi32, #tpu.memory_space<vmem>>[vector<16xi32>], vector<16xi32>,
      %and3A_854 = arith.constant 127 : i32
      %and3A_855 = vector.broadcast %and3A_854 : i32 to vector<16xi32>
      %and3A_856 = arith.andi %gather3A_853, %and3A_855 : vector<16xi32>
      %add3A_857 = vector.broadcast %add3A_850 : i32 to vector<16xi32>
      %add3A_858 = arith.addi %broadcast_in_dim3A_3, %add3A_857 : vector<16xi32>
      %gather3A_859 = tpu.vector_load_idx %arg10[%add3A_858] : memref<512xi32, #tpu.memory_space<vmem>>[vector<16xi32>], vector<16xi32>,
      %and3A_860 = arith.constant 127 : i32
      %and3A_861 = vector.broadcast %and3A_860 : i32 to vector<16xi32>
      %and3A_862 = arith.andi %gather3A_859, %and3A_861 : vector<16xi32>
      %add3A_863 = arith.constant 128 : i32
      %add3A_864 = vector.broadcast %add3A_863 : i32 to vector<16xi32>
      %add3A_865 = arith.addi %add3A_864, %iota3A : vector<16xi32>
      %gather3A_866 = tpu.vector_load_idx %arg11[%add3A_865, %and3A_856] : memref<256x128xf32, #tpu.memory_space<vmem>>[vector<16xi32>, vector<16xi32>], vector<16xf32>,
      %gather3A_867 = tpu.vector_load_idx %arg12[%add3A_865, %and3A_862] : memref<256x128xf32, #tpu.memory_space<vmem>>[vector<16xi32>, vector<16xi32>], vector<16xf32>,
      %mul3A_868 = arith.mulf %gather3A_866, %gather3A_867 : vector<16xf32>
      %add3A_869 = arith.constant 16 : i32
      %add3A_870 = vector.broadcast %add3A_869 : i32 to vector<16xi32>
      %add3A_871 = arith.addi %add3A_865, %add3A_870 : vector<16xi32>
      %gather3A_872 = tpu.vector_load_idx %arg11[%add3A_871, %and3A_856] : memref<256x128xf32, #tpu.memory_space<vmem>>[vector<16xi32>, vector<16xi32>], vector<16xf32>,
      %add3A_873 = arith.constant 16 : i32
      %add3A_874 = vector.broadcast %add3A_873 : i32 to vector<16xi32>
      %add3A_875 = arith.addi %add3A_865, %add3A_874 : vector<16xi32>
      %gather3A_876 = tpu.vector_load_idx %arg12[%add3A_875, %and3A_862] : memref<256x128xf32, #tpu.memory_space<vmem>>[vector<16xi32>, vector<16xi32>], vector<16xf32>,
      %mul3A_877 = arith.mulf %gather3A_872, %gather3A_876 : vector<16xf32>
      %add3A_878 = arith.addf %mul3A_868, %mul3A_877 : vector<16xf32>
      %reduce_sum3A_879 = arith.constant true
      %reduce_sum3A_880 = vector.broadcast %reduce_sum3A_879 : i1 to vector<16xi1>
      %reduce_sum3A_881 = tpu.scan <sum>, %add3A_878 masked %reduce_sum3A_880 : vector<16xf32>, vector<16xi1> -> vector<16xf32>
      %reduce_sum3A_882 = vector.extract %reduce_sum3A_881[15] : f32 from vector<16xf32>
      %add3A_883 = arith.constant 0 : i32
      %add3A_884 = arith.addi %mul3A_846, %add3A_883 : i32
      %eq3A_885 = vector.broadcast %add3A_884 : i32 to vector<16xi32>
      %eq3A_886 = arith.cmpi eq, %iota3A, %eq3A_885 : vector<16xi32>
      %broadcast_in_dim3A_887 = vector.broadcast %reduce_sum3A_882 : f32 to vector<16xf32>
      %select_n3A_888 = arith.select %eq3A_886, %broadcast_in_dim3A_887, %broadcast_in_dim3A_5 : vector<16xi1>, vector<16xf32>
      %mul3A_889 = arith.constant 4 : i32
      %mul3A_890 = arith.muli %add3A_285, %mul3A_889 : i32
      %add3A_891 = arith.constant 1 : i32
      %add3A_892 = arith.addi %mul3A_890, %add3A_891 : i32
      %add3A_893 = vector.broadcast %add3A_892 : i32 to vector<16xi32>
      %add3A_894 = arith.addi %broadcast_in_dim3A_3, %add3A_893 : vector<16xi32>
      %gather3A_895 = tpu.vector_load_idx %arg9[%add3A_894] : memref<512xi32, #tpu.memory_space<vmem>>[vector<16xi32>], vector<16xi32>,
      %and3A_896 = arith.constant 127 : i32
      %and3A_897 = vector.broadcast %and3A_896 : i32 to vector<16xi32>
      %and3A_898 = arith.andi %gather3A_895, %and3A_897 : vector<16xi32>
      %add3A_899 = vector.broadcast %add3A_892 : i32 to vector<16xi32>
      %add3A_900 = arith.addi %broadcast_in_dim3A_3, %add3A_899 : vector<16xi32>
      %gather3A_901 = tpu.vector_load_idx %arg10[%add3A_900] : memref<512xi32, #tpu.memory_space<vmem>>[vector<16xi32>], vector<16xi32>,
      %and3A_902 = arith.constant 127 : i32
      %and3A_903 = vector.broadcast %and3A_902 : i32 to vector<16xi32>
      %and3A_904 = arith.andi %gather3A_901, %and3A_903 : vector<16xi32>
      %add3A_905 = arith.constant 160 : i32
      %add3A_906 = vector.broadcast %add3A_905 : i32 to vector<16xi32>
      %add3A_907 = arith.addi %add3A_906, %iota3A : vector<16xi32>
      %gather3A_908 = tpu.vector_load_idx %arg11[%add3A_907, %and3A_898] : memref<256x128xf32, #tpu.memory_space<vmem>>[vector<16xi32>, vector<16xi32>], vector<16xf32>,
      %gather3A_909 = tpu.vector_load_idx %arg12[%add3A_907, %and3A_904] : memref<256x128xf32, #tpu.memory_space<vmem>>[vector<16xi32>, vector<16xi32>], vector<16xf32>,
      %mul3A_910 = arith.mulf %gather3A_908, %gather3A_909 : vector<16xf32>
      %add3A_911 = arith.constant 16 : i32
      %add3A_912 = vector.broadcast %add3A_911 : i32 to vector<16xi32>
      %add3A_913 = arith.addi %add3A_907, %add3A_912 : vector<16xi32>
      %gather3A_914 = tpu.vector_load_idx %arg11[%add3A_913, %and3A_898] : memref<256x128xf32, #tpu.memory_space<vmem>>[vector<16xi32>, vector<16xi32>], vector<16xf32>,
      %add3A_915 = arith.constant 16 : i32
      %add3A_916 = vector.broadcast %add3A_915 : i32 to vector<16xi32>
      %add3A_917 = arith.addi %add3A_907, %add3A_916 : vector<16xi32>
      %gather3A_918 = tpu.vector_load_idx %arg12[%add3A_917, %and3A_904] : memref<256x128xf32, #tpu.memory_space<vmem>>[vector<16xi32>, vector<16xi32>], vector<16xf32>,
      %mul3A_919 = arith.mulf %gather3A_914, %gather3A_918 : vector<16xf32>
      %add3A_920 = arith.addf %mul3A_910, %mul3A_919 : vector<16xf32>
      %reduce_sum3A_921 = arith.constant true
      %reduce_sum3A_922 = vector.broadcast %reduce_sum3A_921 : i1 to vector<16xi1>
      %reduce_sum3A_923 = tpu.scan <sum>, %add3A_920 masked %reduce_sum3A_922 : vector<16xf32>, vector<16xi1> -> vector<16xf32>
      %reduce_sum3A_924 = vector.extract %reduce_sum3A_923[15] : f32 from vector<16xf32>
      %add3A_925 = arith.constant 1 : i32
      %add3A_926 = arith.addi %mul3A_846, %add3A_925 : i32
      %eq3A_927 = vector.broadcast %add3A_926 : i32 to vector<16xi32>
      %eq3A_928 = arith.cmpi eq, %iota3A, %eq3A_927 : vector<16xi32>
      %broadcast_in_dim3A_929 = vector.broadcast %reduce_sum3A_924 : f32 to vector<16xf32>
      %select_n3A_930 = arith.select %eq3A_928, %broadcast_in_dim3A_929, %select_n3A_888 : vector<16xi1>, vector<16xf32>
      %mul3A_931 = arith.constant 4 : i32
      %mul3A_932 = arith.muli %add3A_285, %mul3A_931 : i32
      %add3A_933 = arith.constant 2 : i32
      %add3A_934 = arith.addi %mul3A_932, %add3A_933 : i32
      %add3A_935 = vector.broadcast %add3A_934 : i32 to vector<16xi32>
      %add3A_936 = arith.addi %broadcast_in_dim3A_3, %add3A_935 : vector<16xi32>
      %gather3A_937 = tpu.vector_load_idx %arg9[%add3A_936] : memref<512xi32, #tpu.memory_space<vmem>>[vector<16xi32>], vector<16xi32>,
      %and3A_938 = arith.constant 127 : i32
      %and3A_939 = vector.broadcast %and3A_938 : i32 to vector<16xi32>
      %and3A_940 = arith.andi %gather3A_937, %and3A_939 : vector<16xi32>
      %add3A_941 = vector.broadcast %add3A_934 : i32 to vector<16xi32>
      %add3A_942 = arith.addi %broadcast_in_dim3A_3, %add3A_941 : vector<16xi32>
      %gather3A_943 = tpu.vector_load_idx %arg10[%add3A_942] : memref<512xi32, #tpu.memory_space<vmem>>[vector<16xi32>], vector<16xi32>,
      %and3A_944 = arith.constant 127 : i32
      %and3A_945 = vector.broadcast %and3A_944 : i32 to vector<16xi32>
      %and3A_946 = arith.andi %gather3A_943, %and3A_945 : vector<16xi32>
      %add3A_947 = arith.constant 192 : i32
      %add3A_948 = vector.broadcast %add3A_947 : i32 to vector<16xi32>
      %add3A_949 = arith.addi %add3A_948, %iota3A : vector<16xi32>
      %gather3A_950 = tpu.vector_load_idx %arg11[%add3A_949, %and3A_940] : memref<256x128xf32, #tpu.memory_space<vmem>>[vector<16xi32>, vector<16xi32>], vector<16xf32>,
      %gather3A_951 = tpu.vector_load_idx %arg12[%add3A_949, %and3A_946] : memref<256x128xf32, #tpu.memory_space<vmem>>[vector<16xi32>, vector<16xi32>], vector<16xf32>,
      %mul3A_952 = arith.mulf %gather3A_950, %gather3A_951 : vector<16xf32>
      %add3A_953 = arith.constant 16 : i32
      %add3A_954 = vector.broadcast %add3A_953 : i32 to vector<16xi32>
      %add3A_955 = arith.addi %add3A_949, %add3A_954 : vector<16xi32>
      %gather3A_956 = tpu.vector_load_idx %arg11[%add3A_955, %and3A_940] : memref<256x128xf32, #tpu.memory_space<vmem>>[vector<16xi32>, vector<16xi32>], vector<16xf32>,
      %add3A_957 = arith.constant 16 : i32
      %add3A_958 = vector.broadcast %add3A_957 : i32 to vector<16xi32>
      %add3A_959 = arith.addi %add3A_949, %add3A_958 : vector<16xi32>
      %gather3A_960 = tpu.vector_load_idx %arg12[%add3A_959, %and3A_946] : memref<256x128xf32, #tpu.memory_space<vmem>>[vector<16xi32>, vector<16xi32>], vector<16xf32>,
      %mul3A_961 = arith.mulf %gather3A_956, %gather3A_960 : vector<16xf32>
      %add3A_962 = arith.addf %mul3A_952, %mul3A_961 : vector<16xf32>
      %reduce_sum3A_963 = arith.constant true
      %reduce_sum3A_964 = vector.broadcast %reduce_sum3A_963 : i1 to vector<16xi1>
      %reduce_sum3A_965 = tpu.scan <sum>, %add3A_962 masked %reduce_sum3A_964 : vector<16xf32>, vector<16xi1> -> vector<16xf32>
      %reduce_sum3A_966 = vector.extract %reduce_sum3A_965[15] : f32 from vector<16xf32>
      %add3A_967 = arith.constant 2 : i32
      %add3A_968 = arith.addi %mul3A_846, %add3A_967 : i32
      %eq3A_969 = vector.broadcast %add3A_968 : i32 to vector<16xi32>
      %eq3A_970 = arith.cmpi eq, %iota3A, %eq3A_969 : vector<16xi32>
      %broadcast_in_dim3A_971 = vector.broadcast %reduce_sum3A_966 : f32 to vector<16xf32>
      %select_n3A_972 = arith.select %eq3A_970, %broadcast_in_dim3A_971, %select_n3A_930 : vector<16xi1>, vector<16xf32>
      %mul3A_973 = arith.constant 4 : i32
      %mul3A_974 = arith.muli %add3A_285, %mul3A_973 : i32
      %add3A_975 = arith.constant 3 : i32
      %add3A_976 = arith.addi %mul3A_974, %add3A_975 : i32
      %add3A_977 = vector.broadcast %add3A_976 : i32 to vector<16xi32>
      %add3A_978 = arith.addi %broadcast_in_dim3A_3, %add3A_977 : vector<16xi32>
      %gather3A_979 = tpu.vector_load_idx %arg9[%add3A_978] : memref<512xi32, #tpu.memory_space<vmem>>[vector<16xi32>], vector<16xi32>,
      %and3A_980 = arith.constant 127 : i32
      %and3A_981 = vector.broadcast %and3A_980 : i32 to vector<16xi32>
      %and3A_982 = arith.andi %gather3A_979, %and3A_981 : vector<16xi32>
      %add3A_983 = vector.broadcast %add3A_976 : i32 to vector<16xi32>
      %add3A_984 = arith.addi %broadcast_in_dim3A_3, %add3A_983 : vector<16xi32>
      %gather3A_985 = tpu.vector_load_idx %arg10[%add3A_984] : memref<512xi32, #tpu.memory_space<vmem>>[vector<16xi32>], vector<16xi32>,
      %and3A_986 = arith.constant 127 : i32
      %and3A_987 = vector.broadcast %and3A_986 : i32 to vector<16xi32>
      %and3A_988 = arith.andi %gather3A_985, %and3A_987 : vector<16xi32>
      %add3A_989 = arith.constant 224 : i32
      %add3A_990 = vector.broadcast %add3A_989 : i32 to vector<16xi32>
      %add3A_991 = arith.addi %add3A_990, %iota3A : vector<16xi32>
      %gather3A_992 = tpu.vector_load_idx %arg11[%add3A_991, %and3A_982] : memref<256x128xf32, #tpu.memory_space<vmem>>[vector<16xi32>, vector<16xi32>], vector<16xf32>,
      %gather3A_993 = tpu.vector_load_idx %arg12[%add3A_991, %and3A_988] : memref<256x128xf32, #tpu.memory_space<vmem>>[vector<16xi32>, vector<16xi32>], vector<16xf32>,
      %mul3A_994 = arith.mulf %gather3A_992, %gather3A_993 : vector<16xf32>
      %add3A_995 = arith.constant 16 : i32
      %add3A_996 = vector.broadcast %add3A_995 : i32 to vector<16xi32>
      %add3A_997 = arith.addi %add3A_991, %add3A_996 : vector<16xi32>
      %gather3A_998 = tpu.vector_load_idx %arg11[%add3A_997, %and3A_982] : memref<256x128xf32, #tpu.memory_space<vmem>>[vector<16xi32>, vector<16xi32>], vector<16xf32>,
      %add3A_999 = arith.constant 16 : i32
      %add3A_1000 = vector.broadcast %add3A_999 : i32 to vector<16xi32>
      %add3A_1001 = arith.addi %add3A_991, %add3A_1000 : vector<16xi32>
      %gather3A_1002 = tpu.vector_load_idx %arg12[%add3A_1001, %and3A_988] : memref<256x128xf32, #tpu.memory_space<vmem>>[vector<16xi32>, vector<16xi32>], vector<16xf32>,
      %mul3A_1003 = arith.mulf %gather3A_998, %gather3A_1002 : vector<16xf32>
      %add3A_1004 = arith.addf %mul3A_994, %mul3A_1003 : vector<16xf32>
      %reduce_sum3A_1005 = arith.constant true
      %reduce_sum3A_1006 = vector.broadcast %reduce_sum3A_1005 : i1 to vector<16xi1>
      %reduce_sum3A_1007 = tpu.scan <sum>, %add3A_1004 masked %reduce_sum3A_1006 : vector<16xf32>, vector<16xi1> -> vector<16xf32>
      %reduce_sum3A_1008 = vector.extract %reduce_sum3A_1007[15] : f32 from vector<16xf32>
      %add3A_1009 = arith.constant 3 : i32
      %add3A_1010 = arith.addi %mul3A_846, %add3A_1009 : i32
      %eq3A_1011 = vector.broadcast %add3A_1010 : i32 to vector<16xi32>
      %eq3A_1012 = arith.cmpi eq, %iota3A, %eq3A_1011 : vector<16xi32>
      %broadcast_in_dim3A_1013 = vector.broadcast %reduce_sum3A_1008 : f32 to vector<16xf32>
      %select_n3A_1014 = arith.select %eq3A_1012, %broadcast_in_dim3A_1013, %select_n3A_972 : vector<16xi1>, vector<16xf32>
      %mul3A_1015 = arith.constant 16 : i32
      %mul3A_1016 = arith.muli %select_n3A_828, %mul3A_1015 : i32
      %get3A_1017 = arith.index_cast %mul3A_1016 : i32 to index
      %get3A_1018 = tpu.vector_load %arg15[%get3A_1017] {strides = array<i32>} : memref<512xf32, #tpu.memory_space<vmem>>, vector<16xf32>,
      %add3A_1019 = arith.addf %get3A_1018, %select_n3A_1014 : vector<16xf32>
      %swap3A_1020 = arith.index_cast %mul3A_1016 : i32 to index
      %swap3A_1021 = tpu.vector_load %arg15[%swap3A_1020] {strides = array<i32>} : memref<512xf32, #tpu.memory_space<vmem>>, vector<16xf32>,
      tpu.vector_store %arg15[%swap3A_1020], %add3A_1019 {strides = array<i32>} : memref<512xf32, #tpu.memory_space<vmem>>, vector<16xf32>,
    }
    %scan3A_265 = arith.constant 64 : i32
    %dma_wait3A = arith.constant 0 : i32
    %dma_wait3A_266 = tpu.memref_slice %arg6[%dma_wait3A] : memref<1000000xf32, #tpu.memory_space<hbm>> -> memref<4096xf32, #tpu.memory_space<hbm>>
    %dma_wait3A_267 = arith.constant 0 : i32
    %dma_wait3A_268 = tpu.memref_slice %arg6[%dma_wait3A_267] : memref<1000000xf32, #tpu.memory_space<hbm>> -> memref<4096xf32, #tpu.memory_space<hbm>>
    tpu.wait_dma2 semaphore(%arg18 : memref<!tpu.dma_semaphore, #tpu.memory_space<semaphore_mem>>) src(%dma_wait3A_268 : memref<4096xf32, #tpu.memory_space<hbm>>) dst(%arg13 : memref<4096xf32, #tpu.memory_space<vmem>>)
    %dma_wait3A_269 = arith.constant 0 : i32
    %dma_wait3A_270 = tpu.memref_slice %arg6[%dma_wait3A_269] : memref<1000000xf32, #tpu.memory_space<hbm>> -> memref<4096xf32, #tpu.memory_space<hbm>>
    %dma_wait3A_271 = arith.constant 0 : i32
    %dma_wait3A_272 = tpu.memref_slice %arg6[%dma_wait3A_271] : memref<1000000xf32, #tpu.memory_space<hbm>> -> memref<4096xf32, #tpu.memory_space<hbm>>
    tpu.wait_dma2 semaphore(%arg18 : memref<!tpu.dma_semaphore, #tpu.memory_space<semaphore_mem>>) src(%dma_wait3A_272 : memref<4096xf32, #tpu.memory_space<hbm>>) dst(%arg14 : memref<4096xf32, #tpu.memory_space<vmem>>)
    %scan3A_273 = arith.constant 0 : i32
    %scan3A_274 = arith.constant 0 : i32
    %scan3A_275 = arith.constant 32 : i32
    %scan3A_276 = arith.addi %scan3A_274, %scan3A_275 : i32
    %scan3A_277 = arith.constant 1 : i32
    scf.for %scan3A_279 = %scan3A_274 to %scan3A_276 step %scan3A_277  : i32 {
      %mul3A_280 = arith.constant 16 : i32
      %mul3A_281 = arith.muli %scan3A_279, %mul3A_280 : i32
      %mul3A_282 = arith.constant 16 : i32
      %mul3A_283 = arith.muli %scan3A_279, %mul3A_282 : i32
      %add3A_284 = vector.broadcast %mul3A_283 : i32 to vector<16xi32>
      %add3A_285 = arith.addi %add3A_284, %iota3A : vector<16xi32>
      %mul3A_286 = arith.constant 8 : i32
      %mul3A_287 = vector.broadcast %mul3A_286 : i32 to vector<16xi32>
      %mul3A_288 = arith.muli %add3A_285, %mul3A_287 : vector<16xi32>
      %get3A = arith.index_cast %mul3A_281 : i32 to index
      %get3A_289 = tpu.vector_load %arg9[%get3A] {strides = array<i32>} : memref<512xi32, #tpu.memory_space<vmem>>, vector<16xi32>,
      %and3A = arith.constant 7 : i32
      %and3A_290 = vector.broadcast %and3A : i32 to vector<16xi32>
      %and3A_291 = arith.andi %get3A_289, %and3A_290 : vector<16xi32>
      %add3A_292 = arith.addi %mul3A_288, %and3A_291 : vector<16xi32>
      %gather3A_293 = tpu.vector_load_idx %arg13[%add3A_292] : memref<4096xf32, #tpu.memory_space<vmem>>[vector<16xi32>], vector<16xf32>,
      %get3A_294 = arith.index_cast %mul3A_281 : i32 to index
      %get3A_295 = tpu.vector_load %arg10[%get3A_294] {strides = array<i32>} : memref<512xi32, #tpu.memory_space<vmem>>, vector<16xi32>,
      %and3A_296 = arith.constant 7 : i32
      %and3A_297 = vector.broadcast %and3A_296 : i32 to vector<16xi32>
      %and3A_298 = arith.andi %get3A_295, %and3A_297 : vector<16xi32>
      %add3A_299 = arith.addi %mul3A_288, %and3A_298 : vector<16xi32>
      %gather3A_300 = tpu.vector_load_idx %arg14[%add3A_299] : memref<4096xf32, #tpu.memory_space<vmem>>[vector<16xi32>], vector<16xf32>,
      %get3A_301 = arith.index_cast %mul3A_281 : i32 to index
      %get3A_302 = tpu.vector_load %arg15[%get3A_301] {strides = array<i32>} : memref<512xf32, #tpu.memory_space<vmem>>, vector<16xf32>,
      %add3A_303 = arith.addf %get3A_302, %gather3A_293 : vector<16xf32>
      %add3A_304 = arith.addf %add3A_303, %gather3A_300 : vector<16xf32>
      %swap3A = arith.index_cast %mul3A_281 : i32 to index
      %swap3A_305 = tpu.vector_load %arg15[%swap3A] {strides = array<i32>} : memref<512xf32, #tpu.memory_space<vmem>>, vector<16xf32>,
      tpu.vector_store %arg15[%swap3A], %add3A_304 {strides = array<i32>} : memref<512xf32, #tpu.memory_space<vmem>>, vector<16xf32>,
    }
    %scan3A_278 = arith.constant 32 : i32
    "tpu.region"() ({
      %run_scoped3A = tpu.sem_alloc : memref<!tpu.dma_semaphore, #tpu.memory_space<semaphore_mem>>
      %dma_start3A_279 = tpu.memref_slice %arg8[%mul3A_2] : memref<16384xf32, #tpu.memory_space<hbm>> -> memref<512xf32, #tpu.memory_space<hbm>>
      %dma_start3A_280 = tpu.memref_slice %arg8[%mul3A_2] : memref<16384xf32, #tpu.memory_space<hbm>> -> memref<512xf32, #tpu.memory_space<hbm>>
      tpu.enqueue_dma source(%arg15 : memref<512xf32, #tpu.memory_space<vmem>>) target(%dma_start3A_280 : memref<512xf32, #tpu.memory_space<hbm>>) target_semaphore(%run_scoped3A : memref<!tpu.dma_semaphore, #tpu.memory_space<semaphore_mem>>)
      %dma_wait3A_281 = tpu.memref_slice %arg8[%mul3A_2] : memref<16384xf32, #tpu.memory_space<hbm>> -> memref<512xf32, #tpu.memory_space<hbm>>
      %dma_wait3A_282 = tpu.memref_slice %arg8[%mul3A_2] : memref<16384xf32, #tpu.memory_space<hbm>> -> memref<512xf32, #tpu.memory_space<hbm>>
      tpu.wait_dma2 semaphore(%run_scoped3A : memref<!tpu.dma_semaphore, #tpu.memory_space<semaphore_mem>>) src(%arg15 : memref<512xf32, #tpu.memory_space<vmem>>) dst(%dma_wait3A_282 : memref<512xf32, #tpu.memory_space<hbm>>)
      tpu.yield
    }) : () -> ()
    return
  }
}

</mosaic_0001>

<sc_bundles>
// kernel: _predict.3.cloned.1.call-start
scs
__scs_entry_jumppad:
0x0: {  	(pc) =	sbr.rel $0x88, $3  }
0x1: {  	(tag) =	ssettag $0x0;
	lr =	simm.s32 $0x1  }
0x2: {  	[smem:$0x3F9B] =	sst lr;
	_ =	strace $0xD0000000  }
0x3: {  	_ = 	snop  }
0x4: {  	_ = 	snop  }
0x5: {  	_ = 	snop  }
0x6: {  	_ = 	snop  }
0x7: {  	_ = 	snop  }
__scs_overlays_trampoline_lowered:
0x8: {  	[smem:$0x3FAA] =	sst s0  }
0x9: {  	[smem:$0x3FAB] =	sst s1  }
0xa: {  	[smem:$0x3FAC] =	sst s2  }
0xb: {  	[smem:$0x3FAD] =	sst s3  }
0xc: {  	[smem:$0x3FAE] =	sst s4  }
0xd: {  	[smem:$0x3FAF] =	sst s5  }
0xe: {  	[smem:$0x3FB0] =	sst s6  }
0xf: {  	[smem:$0x3FB1] =	sst s7  }
0x10: {  	[smem:$0x3FB2] =	sst s8  }
0x11: {  	[smem:$0x3FB3] =	sst s9;
	s0 =	simm.s32 @!p0 $0x0  }
0x12: {  	s1 =	sld [smem:$0x3F99];
	s0 =	simm.s32 @p0 $0x1  }
0x13: {  	[smem:$0x3FB4] =	sst s0;
	s0 =	simm.s32 @!p1 $0x0  }
0x14: {  	s2 =	sld [smem:$0x3F98];
	s0 =	simm.s32 @p1 $0x1  }
0x15: {  	[smem:$0x3FB5] =	sst s0;
	s0 =	simm.s32 @!p2 $0x0  }
0x16: {  	s3 =	sld [smem:$0x3FDB];
	s0 =	simm.s32 @p2 $0x1  }
0x17: {  	s4 =	simm.s32 $0x1BF5;
	[smem:$0x3FB7] =	sst s0  }
0x18: {  	s0 =	sld [smem:$0x3F9A];
	_ =	swait.ge [sflag:s4], $0x0  }
0x19: {  	s7 =	sld [smem:$0x3F9B]  }
0x1a: {  	s8 =	sadd.s32 $0xFFFFE003, lr  }
0x1b: {  	s9 =	sadd.s32 $0xFFFFFEF7, lr;
	s5 =	simm.s32 $0xFFFFFFFF;
	p2 =	slt.u32 s8, $0xFFFFF086  }
0x1c: {  	p1 =	slt.u32 s9, $0xF7A;
	s5 =	simm.s32 @!p2 $0x0  }
0x1d: {  	s5 =	simm.s32 @p1 $0x1;
	p0 =	seq.s32 s7, s2  }
0x1e: {  	s7 =	smul.u32 @!p0 $0xF7A, s2;
	p2 =	seq.s32 @!p0 s5, $0x0  }
0x1f: {  	s9 =	smul.u32 $0xF7A, s1;
	s8 =	simm.s32 @!p0 $0x1BF5;
	p2 =	por !p2, p0  }
0x20: {  	[sflag:s8] =	ssyncset.s32 @!p0 $0xFFFFF086;
	s6 =	sadd.s32 @!p0 s3, s7;
	s7 =	simm.s32 @!p0 $0x108  }
0x21: {  	s3 =	sadd.s32 s3, s9;
	s6 =	sadd.s32 @!p0 $0x88, s6;
	s7 =	simm.s32 @p2 $0x1082  }
0x22: {  	[simem:s7], [sflag:s8] =	dma.local @!p0 [hbm:s6], $0xF7A  }
0x23: {  	s9 =	sor.u32 $0xD0000000, s2;
	s6 =	simm.s32 $0x108;
	_ =	swait.ge @!p0 [sflag:s8], $0x0  }
0x24: {  	s3 =	sadd.s32 $0x88, s3;
	s6 =	simm.s32 @!p1 $0x1082;
	[sflag:s4] =	ssyncset.s32 $0xFFFFF086  }
0x25: {  	[simem:s6], [sflag:s4] =	dma.local [hbm:s3], $0xF7A  }
0x26: {  	[smem:$0x3F9B] =	sst s1;
	(tag) =	ssettag s2;
	_ =	strace s9  }
0x27: {  	s1 =	sld [smem:$0x3FAB]  }
0x28: {  	s2 =	sld [smem:$0x3FAC]  }
0x29: {  	s4 =	sld [smem:$0x3FAE]  }
0x2a: {  	p0 =	seq.s32 s5, $0x0;
	s5 =	sld [smem:$0x3FAF]  }
0x2b: {  	s6 =	sld [smem:$0x3FB0]  }
0x2c: {  	s7 =	sld [smem:$0x3FB1]  }
0x2d: {  	s3 =	simm.s32 $0x108;
	s8 =	sld [smem:$0x3FB2]  }
0x2e: {  	s3 =	simm.s32 @!p0 $0x1082;
	s9 =	sld [smem:$0x3FB3]  }
0x2f: {  	lr =	sadd.s32 s0, s3;
	s0 =	sld [smem:$0x3FAA]  }
0x30: {  	s3 =	sld [smem:$0x3FAD]  }
0x31: {  	[smem:$0x3FB6] =	sst s10  }
0x32: {  	s10 =	sld [smem:$0x3FB4];
	_ =	sdelay $0x3  }
0x33: {  	p0 =	seq.s32 s10, $0x1;
	s10 =	sld [smem:$0x3FB6];
	_ =	sdelay $0x3  }
0x34: {  	[smem:$0x3FB6] =	sst s10  }
0x35: {  	s10 =	sld [smem:$0x3FB5];
	_ =	sdelay $0x3  }
0x36: {  	p1 =	seq.s32 s10, $0x1;
	s10 =	sld [smem:$0x3FB6];
	_ =	sdelay $0x3  }
0x37: {  	[smem:$0x3FB6] =	sst s10  }
0x38: {  	s10 =	sld [smem:$0x3FB7]  }
0x39: {  	_ = 	snop;
	(pc) =	sbr.ind lr, $3  }
0x3a: {  	_ = 	snop  }
0x3b: {  	_ = 	snop  }
0x3c: {  	p2 =	seq.s32 s10, $0x1;
	s10 =	sld [smem:$0x3FB6]  }
0x3d: {  	_ =	shalt  }
0x3e: {  	_ =	shalt  }
0x3f: {  	_ =	shalt  }
0x40: {  	_ =	shalt  }
0x41: {  	_ =	shalt  }
0x42: {  	_ =	shalt  }
0x43: {  	_ =	shalt  }
0x44: {  	_ =	shalt  }
0x45: {  	_ =	shalt  }
0x46: {  	_ =	shalt  }
0x47: {  	_ =	shalt  }
0x48: {  	_ =	shalt  }
0x49: {  	_ =	shalt  }
0x4a: {  	_ =	shalt  }
0x4b: {  	_ =	shalt  }
0x4c: {  	_ =	shalt  }
0x4d: {  	_ =	shalt  }
0x4e: {  	_ =	shalt  }
0x4f: {  	_ =	shalt  }
0x50: {  	_ =	shalt  }
0x51: {  	_ =	shalt  }
0x52: {  	_ =	shalt  }
0x53: {  	_ =	shalt  }
0x54: {  	_ =	shalt  }
0x55: {  	_ =	shalt  }
0x56: {  	_ =	shalt  }
0x57: {  	_ =	shalt  }
0x58: {  	_ =	shalt  }
0x59: {  	_ =	shalt  }
0x5a: {  	_ =	shalt  }
0x5b: {  	_ =	shalt  }
0x5c: {  	_ =	shalt  }
0x5d: {  	_ =	shalt  }
0x5e: {  	_ =	shalt  }
0x5f: {  	_ =	shalt  }
0x60: {  	_ =	shalt  }
0x61: {  	_ =	shalt  }
0x62: {  	_ =	shalt  }
0x63: {  	_ =	shalt  }
0x64: {  	_ =	shalt  }
0x65: {  	_ =	shalt  }
0x66: {  	_ =	shalt  }
0x67: {  	_ =	shalt  }
0x68: {  	_ =	shalt  }
0x69: {  	_ =	shalt  }
0x6a: {  	_ =	shalt  }
0x6b: {  	_ =	shalt  }
0x6c: {  	_ =	shalt  }
0x6d: {  	_ =	shalt  }
0x6e: {  	_ =	shalt  }
0x6f: {  	_ =	shalt  }
0x70: {  	_ =	shalt  }
0x71: {  	_ =	shalt  }
0x72: {  	_ =	shalt  }
0x73: {  	_ =	shalt  }
0x74: {  	_ =	shalt  }
0x75: {  	_ =	shalt  }
0x76: {  	_ =	shalt  }
0x77: {  	_ =	shalt  }
0x78: {  	_ =	shalt  }
0x79: {  	_ =	shalt  }
0x7a: {  	_ =	shalt  }
0x7b: {  	_ =	shalt  }
0x7c: {  	_ =	shalt  }
0x7d: {  	_ =	shalt  }
0x7e: {  	_ =	shalt  }
0x7f: {  	_ =	shalt  }
0x80: {  	_ =	shalt  }
0x81: {  	_ =	shalt  }
0x82: {  	_ =	shalt  }
0x83: {  	_ =	shalt  }
0x84: {  	_ =	shalt  }
0x85: {  	_ =	shalt  }
0x86: {  	_ =	shalt  }
0x87: {  	_ =	shalt  }
.Lfunc_end0:
.L_simem_size_0:
called_computation_lowered:
.L_overlay_start_0:
0x88: {  	s2 =	sld [smem:$0x3FD9]  }
0x89: {  	s3 =	sld [smem:$0x3FFE];
	_ =	sdelay $0x1  }
0x8a: {  	s1 =	srdreg.scid  }
0x8b: {  	s0 =	sand.u32 $0x1, s1  }
0x8c: {  	s17 =	sshll.u32 s0, $0xA;
	s2 =	sadd.s32 s3, s2  }
0x8d: {  	s2 =	sadd.s32 s2, s17  }
0x8e: {  	[smem:$0x3FC2] =	sst s2  }
0x8f: {  	_ = 	snop  }
0x90: {  	s2 =	sld [smem:$0x3FC9]  }
0x91: {  	s18 =	sld [smem:$0x3FC8]  }
0x92: {  	s4 =	sld [smem:$0x3FC7]  }
0x93: {  	s5 =	sld [smem:$0x3FC6]  }
0x94: {  	s6 =	sld [smem:$0x3FD0];
	(tm) =	ssettm $0x1  }
0x95: {  	s7 =	sld [smem:$0x3FFB];
	_ =	sdelay $0x3  }
0x96: {  	_ =	strace s7  }
0x97: {  	s7 =	sld [smem:$0x3FFC];
	_ =	sdelay $0x3  }
0x98: {  	_ =	strace s7  }
0x99: {  	s7 =	sld [smem:$0x3FFD];
	_ =	sdelay $0x3  }
0x9a: {  	_ =	strace s7  }
0x9b: {  	_ =	strace $0x8FFFFFFF  }
0x9c: {  	s19 =	sld [smem:$0x3FDB];
	_ =	sdelay $0x1  }
0x9d: {  	s8 =	simm.s32 $_scs_section_size  }
0x9e: {  	s9 =	simm.s32 $_size__tile_overlayer_lowered;
	s10 =	simm.s32 $_tile_overlayer_lowered  }
0x9f: {  	s22 =	simm.s32 $0x1BFF;
	s21 =	sshll.u32 s10, $0x1;
	s7 =	sadd.s32 s8, s19  }
0xa0: {  	s11 =	simm.s32 $0x0;
	s20 =	sshll.u32 s9, $0x1;
	s9 =	sadd.s32 s21, s7  }
0xa1: {  	[timem:s11], [sflag:s22] =	dma.local [hbm:s9], s20  }
0xa2: {  	_ =	swait.ge [sflag:s22], s20  }
0xa3: {  	s8 =	ssub.s32 $0x0, s20;
	[sflag:s22] =	ssyncset.done $0x0  }
0xa4: {  	[sflag:s22] =	ssyncadd.s32 s8;
	_ =	sdelay $0x1  }
0xa5: {  	s23 =	simm.s32 $0x1B8B  }
0xa6: {  	_ =	swait.ge [sflag:s23], $0x1  }
0xa7: {  	[sflag:s23] =	ssyncset.done $0x0  }
0xa8: {  	s25 =	simm.s32 $0x1B8E;
	s24 =	sld [smem:$0x3FFE];
	[sflag:s23] =	ssyncadd.s32 $0xFFFFFFFF  }
0xa9: {  	s26 =	simm.s32 $execute0_lowered;
	[smem:$0x3FD2] =	sst s25  }
0xaa: {  	s9 =	sshll.u32 s26, $0x1;
	_ =	strace $0x80000046;
	[dreg:$0x1] =	wrdreg $0xFFFFFFFF  }
0xab: {  	s28 =	simm.s32 $_size_execute0_lowered;
	s7 =	sadd.s32 s7, s9;
	[dreg:$0x0] =	wrdreg $0x0  }
0xac: {  	s9 =	sshll.u32 s28, $0x1;
	[dreg:$0x2] =	wrdreg s7  }
0xad: {  	[dreg:$0x3] =	wrdreg s9  }
0xae: {  	[dreg:$0x4] =	wrdreg $0xC0  }
0xaf: {  	_ =	task [dreg:s11], $0x5FFFF  }
0xb0: {  	[dreg:$0x1] =	wrdreg $0xFFFFFFFF  }
0xb1: {  	[dreg:$0x0] =	wrdreg $0x60  }
0xb2: {  	[dreg:$0x2] =	wrdreg s2  }
0xb3: {  	[dreg:$0x3] =	wrdreg s18  }
0xb4: {  	[dreg:$0x4] =	wrdreg s4  }
0xb5: {  	[dreg:$0x5] =	wrdreg s5  }
0xb6: {  	[dreg:$0x6] =	wrdreg s24  }
0xb7: {  	[dreg:$0x7] =	wrdreg s6  }
0xb8: {  	[dreg:$0x8] =	wrdreg $0x9  }
0xb9: {  	_ =	task.clear_ibuf [dreg:s11], $0x9FFFF;
	_ =	strace $0x90000046  }
0xba: {  	s29 =	simm.s32 $0x9;
	_ =	strace $0x80000048  }
0xbb: {  	_ =	swait.ge [sflag:s29], $0x1  }
0xbc: {  	[sflag:s29] =	ssyncadd.s32 $0xFFFFFFFF  }
0xbd: {  	_ =	strace $0x90000048  }
0xbe: {  	_ =	sfence  }
0xbf: {  	s30 =	sld [smem:$0x0];
	_ =	sdelay $0x2  }
0xc0: {  	s31 =	sshll.u32 s1, $0xD;
	s1 =	sshrl.u32 s1, $0x2  }
0xc1: {  	s3 =	sand.u32 $0x4000, s31;
	s1 =	sadd.s32 s1, s30  }
0xc2: {  	s0 =	sor.u32 s3, s0;
	s1 =	sshll.u32 s1, $0x11  }
0xc3: {  	s0 =	sor.u32 s1, s0  }
0xc4: {  	s0 =	sadd.s32 $0x8F2B, s0  }
0xc5: {  	[sflag:s0] =	ssyncadd.remote.s32 $0x1  }
0xc6: {  	_ =	sfence.sel $0xFFFF  }
0xc7: {  	[dreg:$0x0] =	wrdreg $0xFFFFFFFF;
	(pc) =	sbr.abs _section_cstart, $3  }
0xc8: {  	[dreg:$0x1] =	wrdreg $0xFFFFFFFF  }
0xc9: {  	_ =	task.clear_ibuf [dreg:s11], $0x2FFFF;
	_ =	strace $0x9FFFFFFF  }
0xca: {  	(tm) =	ssettm $0x7FFFFFFF  }
0xcb: {  	_ =	shalt  }
tec
execute0_lowered:
.L_overlay_start_1:
0x0: {  	(tag) =	ssettag $0x1  }
0x1: {  	s0 =	rddreg [dreg:$0x0]  }
0x2: {  	s5 =	rddreg [dreg:$0x1]  }
0x3: {  	s1 =	rddreg [dreg:$0x2]  }
0x4: {  	s2 =	rddreg [dreg:$0x3]  }
0x5: {  	s3 =	rddreg [dreg:$0x4]  }
0x6: {  	s7 =	rddreg [dreg:$0x5]  }
0x7: {  	s4 =	simm.s32 $0x0;
	s6 =	srdreg.scid;
	s10 =	stileid.u32  }
0x8: {  	s12 =	simm.s32 $0x200;
	s13 =	simm.s32 $0x7A1400;
	s14 =	simm.s32 $0x400  }
0x9: {  	s15 =	simm.s32 $0x8400;
	s16 =	simm.s32 $0x10400;
	s17 =	simm.s32 $0x11400  }
0xa: {  	s31 =	simm.s32 $0x4400;
	s20 =	simm.s32 $0xD400;
	s21 =	simm.s32 $0x6400  }
0xb: {  	s29 =	simm.s32 $0xF400;
	s30 =	simm.s32 $0x1;
	[smem:$0x7FF] =	sst s4  }
0xc: {  	v0 =	vlaneseq.u32;
	s6 =	sand.u32 $0x1, s6;
	s10 =	sshll.u32 s10, $0x7;
	_ =	strace $0x80000047  }
0xd: {  	v2 =	vimm.f32 $0.0e+00;
	v3 =	vimm.s32 $0x1;
	v1 =	vmul.u32 $0x80, v0;
	s8 =	ssub.s32 $0x2, s6;
	s11 =	sshll.u32 s6, $0x6;
	s6 =	sadd.s32 $0x1EA00, s3  }
0xe: {  	v4 =	vimm.s32 $0x2;
	v5 =	vimm.s32 $0x3;
	v21 =	vmul.u32 $0x8, v0;
	s9 =	sshrl.u32 s8, $0x1;
	s24 =	sor.u32 s11, s10;
	s10 =	simm.s32 $0x0  }
0xf: {  	v6 =	vor.u32 $0x800, v1;
	v7 =	vor.u32 $0x1000, v1;
	v8 =	vor.u32 $0x1800, v1;
	s8 =	ssub.s32 s8, s9;
	s0 =	sadd.s32 s0, s24;
	s25 =	sadd.s32 s5, s24  }
0x10: {  	v9 =	vor.u32 $0x2000, v1;
	v10 =	vor.u32 $0x2800, v1;
	v11 =	vor.u32 $0x3000, v1;
	s26 =	sadd.s32 s7, s24;
	s9 =	simm.s32 $0x4;
	[dreg:$0x7] =	wrdreg s0  }
0x11: {  	v12 =	vor.u32 $0x3800, v1;
	v13 =	vor.u32 $0x4000, v1;
	v14 =	vor.u32 $0x4800, v1;
	s5 =	simm.s32 $0x5400;
	s24 =	simm.s32 $0xE400;
	[dreg:$0x8] =	wrdreg s25  }
0x12: {  	v15 =	vor.u32 $0x5000, v1;
	v16 =	vor.u32 $0x5800, v1;
	v17 =	vor.u32 $0x6000, v1;
	s7 =	simm.s32 $0x2;
	[dreg:$0x9] =	wrdreg s26;
	s28 =	smax.u32 s8, $0x1  }
0x13: {  	v18 =	vor.u32 $0x6800, v1;
	v19 =	vor.u32 $0x7000, v1;
	v20 =	vor.u32 $0x7800, v1;
	s0 =	simm.s32 $0xC400;
	s25 =	simm.s32 $0x7400;
	[dreg:$0xa] =	wrdreg s28  }
.LBB2_1:
0x14: {  	[dreg:$0xb] =	wrdreg s10  }
0x15: {  	s8 =	rddreg [dreg:$0x7]  }
0x16: {  	[tilespmem:s4], [sflag:$0x4] =	stream.linear.gather [hbm4b:s8+s4], $0x200, $0x38;
	[tilespmem:$0x12600] =	vst v63  }
0x17: {  	_ =	swait.ge [sflag:s9], $0x200  }
0x18: {  	[sflag:s9] =	ssyncset.done $0x0  }
0x19: {  	s19 =	rddreg [dreg:$0x8];
	[sflag:s9] =	ssyncadd.s32 $0xFFFFFE00  }
0x1a: {  	[tilespmem:s12], [sflag:$0x4] =	stream.linear.gather [hbm4b:s19+s4], $0x200, $0x38;
	[tilespmem:$0x12600] =	vst v63  }
0x1b: {  	_ =	swait.ge [sflag:s9], $0x200  }
0x1c: {  	[sflag:s9] =	ssyncset.done $0x0  }
0x1d: {  	[sflag:s9] =	ssyncadd.s32 $0xFFFFFE00  }
0x1e: {  	[tilespmem:$0x12400] =	vst v2  }
0x1f: {  	[tilespmem:$0x12410] =	vst v2  }
0x20: {  	[tilespmem:$0x12420] =	vst v2  }
0x21: {  	[tilespmem:$0x12430] =	vst v2  }
0x22: {  	[tilespmem:$0x12440] =	vst v2  }
0x23: {  	[tilespmem:$0x12450] =	vst v2  }
0x24: {  	[tilespmem:$0x12460] =	vst v2  }
0x25: {  	[tilespmem:$0x12470] =	vst v2  }
0x26: {  	[tilespmem:$0x12480] =	vst v2  }
0x27: {  	[tilespmem:$0x12490] =	vst v2  }
0x28: {  	[tilespmem:$0x124A0] =	vst v2  }
0x29: {  	[tilespmem:$0x124B0] =	vst v2  }
0x2a: {  	[tilespmem:$0x124C0] =	vst v2  }
0x2b: {  	[tilespmem:$0x124D0] =	vst v2  }
0x2c: {  	[tilespmem:$0x124E0] =	vst v2  }
0x2d: {  	[tilespmem:$0x124F0] =	vst v2  }
0x2e: {  	[tilespmem:$0x12500] =	vst v2  }
0x2f: {  	[tilespmem:$0x12510] =	vst v2  }
0x30: {  	[tilespmem:$0x12520] =	vst v2  }
0x31: {  	[tilespmem:$0x12530] =	vst v2  }
0x32: {  	[tilespmem:$0x12540] =	vst v2  }
0x33: {  	[tilespmem:$0x12550] =	vst v2  }
0x34: {  	[tilespmem:$0x12560] =	vst v2  }
0x35: {  	[tilespmem:$0x12570] =	vst v2  }
0x36: {  	[tilespmem:$0x12580] =	vst v2  }
0x37: {  	[tilespmem:$0x12590] =	vst v2  }
0x38: {  	[tilespmem:$0x125A0] =	vst v2  }
0x39: {  	[tilespmem:$0x125B0] =	vst v2  }
0x3a: {  	[tilespmem:$0x125C0] =	vst v2  }
0x3b: {  	[tilespmem:$0x125D0] =	vst v2  }
0x3c: {  	[tilespmem:$0x125E0] =	vst v2  }
0x3d: {  	[tilespmem:$0x125F0] =	vst v2  }
0x3e: {  	v22 =	vld.msk [tilespmem:s4+$0x0], $0xffff  }
0x3f: {  	v23 =	vld.msk [tilespmem:s12+$0x0], $0xffff;
	_ =	sdelay $0x3  }
0x40: {  	(v2sf) =	vpush v22, $0x0  }
0x41: {  	(v2sf) =	vpush v23, $0x0;
	_ =	sdelay $0xd  }
0x42: {  	s22 =	spop (v2sf)  }
0x43: {  	s23 =	sand.u32 $0xFFFFF80, s22;
	s26 =	spop (v2sf)  }
0x44: {  	s9 =	sadd.s32 s1, s23;
	s28 =	sand.u32 $0xFFFFF80, s26  }
0x45: {  	[tilespmem:s14], [sflag:$0x1] =	stream.strided.gather [hbm4b:s9+s14], $0x1000, s13, s14, $0x38;
	[tilespmem:$0x12600] =	vst v63  }
0x46: {  	s8 =	sshrl.u32 s22, $0x3;
	s9 =	sadd.s32 s2, s28  }
0x47: {  	[tilespmem:s15], [sflag:$0x1] =	stream.strided.gather [hbm4b:s9+s14], $0x1000, s13, s14, $0x38;
	[tilespmem:$0x12600] =	vst v63  }
0x48: {  	s8 =	sadd.s32 s3, s8;
	s11 =	sshrl.u32 s26, $0x3  }
0x49: {  	[tilespmem:s16], [sflag:$0x3] =	stream.linear.gather [hbm4b:s8+s4], $0x8, $0x38;
	[tilespmem:$0x12600] =	vst v63  }
0x4a: {  	s8 =	sadd.s32 s6, s11  }
0x4b: {  	[tilespmem:s17], [sflag:$0x3] =	stream.linear.gather [hbm4b:s8+s4], $0x8, $0x38;
	[tilespmem:$0x12600] =	vst v63  }
0x4c: {  	v22 =	vld.idx.msk [tilespmem:v3+s4+$0x0], $0xffff  }
0x4d: {  	v23 =	vld.idx.msk [tilespmem:v3+s12+$0x0], $0xffff;
	_ =	sdelay $0x3  }
0x4e: {  	(v2sf) =	vpush v22, $0x0  }
0x4f: {  	(v2sf) =	vpush v23, $0x0;
	_ =	sdelay $0xd  }
0x50: {  	s18 =	spop (v2sf)  }
0x51: {  	s19 =	sand.u32 $0xFFFFF80, s18;
	s22 =	spop (v2sf)  }
0x52: {  	s11 =	simm.s32 $0x1400;
	s9 =	sadd.s32 s1, s19;
	s23 =	sand.u32 $0xFFFFF80, s22  }
0x53: {  	[tilespmem:s11], [sflag:$0x1] =	stream.strided.gather [hbm4b:s9+s14], $0x1000, s13, s14, $0x38;
	[tilespmem:$0x12600] =	vst v63  }
0x54: {  	s26 =	simm.s32 $0x9400;
	s8 =	sshrl.u32 s18, $0x3;
	s9 =	sadd.s32 s2, s23  }
0x55: {  	[tilespmem:s26], [sflag:$0x1] =	stream.strided.gather [hbm4b:s9+s14], $0x1000, s13, s14, $0x38;
	[tilespmem:$0x12600] =	vst v63  }
0x56: {  	s28 =	simm.s32 $0x10408;
	s8 =	sadd.s32 s3, s8;
	s10 =	sshrl.u32 s22, $0x3  }
0x57: {  	[tilespmem:s28], [sflag:$0x3] =	stream.linear.gather [hbm4b:s8+s4], $0x8, $0x38;
	[tilespmem:$0x12600] =	vst v63  }
0x58: {  	s11 =	simm.s32 $0x11408;
	s8 =	sadd.s32 s6, s10  }
0x59: {  	[tilespmem:s11], [sflag:$0x3] =	stream.linear.gather [hbm4b:s8+s4], $0x8, $0x38;
	[tilespmem:$0x12600] =	vst v63  }
0x5a: {  	v22 =	vld.idx.msk [tilespmem:v4+s4+$0x0], $0xffff  }
0x5b: {  	v23 =	vld.idx.msk [tilespmem:v4+s12+$0x0], $0xffff;
	_ =	sdelay $0x3  }
0x5c: {  	(v2sf) =	vpush v22, $0x0  }
0x5d: {  	(v2sf) =	vpush v23, $0x0;
	_ =	sdelay $0xd  }
0x5e: {  	s18 =	spop (v2sf)  }
0x5f: {  	s19 =	sand.u32 $0xFFFFF80, s18;
	s22 =	spop (v2sf)  }
0x60: {  	s23 =	simm.s32 $0x2400;
	s9 =	sadd.s32 s1, s19;
	s26 =	sand.u32 $0xFFFFF80, s22  }
0x61: {  	[tilespmem:s23], [sflag:$0x1] =	stream.strided.gather [hbm4b:s9+s14], $0x1000, s13, s14, $0x38;
	[tilespmem:$0x12600] =	vst v63  }
0x62: {  	s28 =	simm.s32 $0xA400;
	s8 =	sshrl.u32 s18, $0x3;
	s9 =	sadd.s32 s2, s26  }
0x63: {  	[tilespmem:s28], [sflag:$0x1] =	stream.strided.gather [hbm4b:s9+s14], $0x1000, s13, s14, $0x38;
	[tilespmem:$0x12600] =	vst v63  }
0x64: {  	s18 =	simm.s32 $0x10410;
	s8 =	sadd.s32 s3, s8;
	s19 =	sshrl.u32 s22, $0x3  }
0x65: {  	[tilespmem:s18], [sflag:$0x3] =	stream.linear.gather [hbm4b:s8+s4], $0x8, $0x38;
	[tilespmem:$0x12600] =	vst v63  }
0x66: {  	s22 =	simm.s32 $0x11410;
	s8 =	sadd.s32 s6, s19  }
0x67: {  	[tilespmem:s22], [sflag:$0x3] =	stream.linear.gather [hbm4b:s8+s4], $0x8, $0x38;
	[tilespmem:$0x12600] =	vst v63  }
0x68: {  	v22 =	vld.idx.msk [tilespmem:v5+s4+$0x0], $0xffff  }
0x69: {  	v23 =	vld.idx.msk [tilespmem:v5+s12+$0x0], $0xffff;
	_ =	sdelay $0x3  }
0x6a: {  	(v2sf) =	vpush v22, $0x0  }
0x6b: {  	(v2sf) =	vpush v23, $0x0;
	_ =	sdelay $0xd  }
0x6c: {  	s23 =	spop (v2sf)  }
0x6d: {  	s18 =	simm.s32 $0x3400;
	s26 =	sand.u32 $0xFFFFF80, s23;
	s28 =	spop (v2sf)  }
0x6e: {  	s22 =	simm.s32 $0xB400;
	s9 =	sadd.s32 s1, s26;
	s19 =	sand.u32 $0xFFFFF80, s28  }
0x6f: {  	[tilespmem:s18], [sflag:$0x1] =	stream.strided.gather [hbm4b:s9+s14], $0x1000, s13, s14, $0x38;
	[tilespmem:$0x12600] =	vst v63  }
0x70: {  	s8 =	sshrl.u32 s23, $0x3;
	s23 =	simm.s32 $0x10418;
	s9 =	sadd.s32 s2, s19  }
0x71: {  	[tilespmem:s22], [sflag:$0x1] =	stream.strided.gather [hbm4b:s9+s14], $0x1000, s13, s14, $0x38;
	[tilespmem:$0x12600] =	vst v63  }
.Ltmp0:
0x72: {  	s8 =	sadd.s32 s3, s8;
	s26 =	sshrl.u32 s28, $0x3;
	(pc) =	sbr.rel .LBB2_2-.Ltmp0, $4  }
0x73: {  	[tilespmem:s23], [sflag:$0x3] =	stream.linear.gather [hbm4b:s8+s4], $0x8, $0x38;
	[tilespmem:$0x12600] =	vst v63  }
0x74: {  	s28 =	simm.s32 $0x11418;
	s8 =	sadd.s32 s6, s26  }
0x75: {  	[tilespmem:s28], [sflag:$0x3] =	stream.linear.gather [hbm4b:s8+s4], $0x8, $0x38;
	[tilespmem:$0x12600] =	vst v63  }
0x76: {  	s10 =	simm.s32 $0xB;
	s11 =	simm.s32 $0x0;
	s8 =	simm.s32 $0x0  }
.LBB2_4:
0x77: {  	_ =	swait.ge [sflag:s7], $0x4000  }
0x78: {  	[sflag:s7] =	ssyncset.done $0x0  }
0x79: {  	[sflag:s7] =	ssyncadd.s32 $0xFFFFC000  }
0x7a: {  	_ =	swait.ge [sflag:s7], $0x4000  }
0x7b: {  	[sflag:s7] =	ssyncset.done $0x0  }
0x7c: {  	[sflag:s7] =	ssyncadd.s32 $0xFFFFC000  }
0x7d: {  	v26 =	vld.idx.msk [tilespmem:v22+s4+$0x0], $0xffff  }
0x7e: {  	v22 =	vld.idx.msk [tilespmem:v22+s12+$0x0], $0xffff;
	_ =	sdelay $0x2  }
0x7f: {  	v28 =	vld.idx.msk [tilespmem:v23+s4+$0x0], $0xffff  }
0x80: {  	v23 =	vld.idx.msk [tilespmem:v23+s12+$0x0], $0xffff;
	v26 =	vand.u32 $0x7F, v26  }
0x81: {  	v22 =	vand.u32 $0x7F, v22;
	v27 =	vor.u32 v13, v26  }
0x82: {  	v30 =	vld.idx.msk [tilespmem:v24+s4+$0x0], $0xffff;
	v29 =	vor.u32 v13, v22  }
0x83: {  	v55 =	vld.idx.msk [tilespmem:v24+s12+$0x0], $0xffff;
	v26 =	vor.u32 v14, v26  }
0x84: {  	v33 =	vld.idx.msk [tilespmem:v25+s4+$0x0], $0xffff;
	v28 =	vand.u32 $0x7F, v28;
	v22 =	vor.u32 v14, v22  }
0x85: {  	v56 =	vld.idx.msk [tilespmem:v25+s12+$0x0], $0xffff;
	v23 =	vand.u32 $0x7F, v23;
	v31 =	vor.u32 v15, v28  }
0x86: {  	v32 =	vor.u32 v15, v23;
	v27 =	vld.idx.msk [tilespmem:v27+s14+$0x0], $0xffff  }
0x87: {  	v28 =	vor.u32 v16, v28;
	v29 =	vld.idx.msk [tilespmem:v29+s15+$0x0], $0xffff  }
0x88: {  	v30 =	vand.u32 $0x7F, v30;
	v23 =	vor.u32 v16, v23;
	v26 =	vld.idx.msk [tilespmem:v26+s14+$0x0], $0xffff  }
0x89: {  	v24 =	vand.u32 $0x7F, v55;
	v34 =	vor.u32 v17, v30;
	v22 =	vld.idx.msk [tilespmem:v22+s15+$0x0], $0xffff  }
0x8a: {  	v35 =	vor.u32 v17, v24;
	v31 =	vld.idx.msk [tilespmem:v31+s14+$0x0], $0xffff  }
0x8b: {  	v30 =	vor.u32 v18, v30;
	v32 =	vld.idx.msk [tilespmem:v32+s15+$0x0], $0xffff  }
0x8c: {  	v33 =	vand.u32 $0x7F, v33;
	v24 =	vor.u32 v18, v24;
	v28 =	vld.idx.msk [tilespmem:v28+s14+$0x0], $0xffff  }
0x8d: {  	v25 =	vand.u32 $0x7F, v56;
	v36 =	vor.u32 v19, v33;
	v23 =	vld.idx.msk [tilespmem:v23+s15+$0x0], $0xffff  }
0x8e: {  	v37 =	vor.u32 v19, v25;
	v34 =	vld.idx.msk [tilespmem:v34+s14+$0x0], $0xffff  }
0x8f: {  	v33 =	vor.u32 v20, v33;
	v35 =	vld.idx.msk [tilespmem:v35+s15+$0x0], $0xffff  }
0x90: {  	v25 =	vor.u32 v20, v25;
	v30 =	vld.idx.msk [tilespmem:v30+s14+$0x0], $0xffff  }
0x91: {  	v24 =	vld.idx.msk [tilespmem:v24+s15+$0x0], $0xffff  }
0x92: {  	v36 =	vld.idx.msk [tilespmem:v36+s14+$0x0], $0xffff  }
0x93: {  	v37 =	vld.idx.msk [tilespmem:v37+s15+$0x0], $0xffff  }
0x94: {  	v33 =	vld.idx.msk [tilespmem:v33+s14+$0x0], $0xffff  }
0x95: {  	v25 =	vld.idx.msk [tilespmem:v25+s15+$0x0], $0xffff  }
0x96: {  	v27 =	vmul.f32 v29, v27;
	v22 =	vmul.f32 v22, v26  }
0x97: {  	v57 =	vmul.f32 v32, v31;
	v23 =	vmul.f32 v23, v28  }
0x98: {  	v22 =	vadd.f32 v22, v27  }
0x99: {  	v58 =	vmul.f32 v35, v34;
	v24 =	vmul.f32 v24, v30;
	v23 =	vadd.f32 v23, v57  }
0x9a: {  	v25 =	vmul.f32 v25, v33;
	(xrf2) =	vadd.scan.msk.f32 $0xffff, v22;
	v22 =	vmul.f32 v37, v36  }
0x9b: {  	(xrf2) =	vadd.scan.msk.f32 $0xffff, v23;
	v23 =	vadd.f32 v24, v58  }
0x9c: {  	v22 =	vadd.f32 v25, v22  }
0x9d: {  	(xrf2) =	vadd.scan.msk.f32 $0xffff, v23  }
0x9e: {  	(xrf2) =	vadd.scan.msk.f32 $0xffff, v22;
	_ =	sdelay $0x5  }
0x9f: {  	s9 =	sand.u32 $0xC, s9;
	v22, _, _ =	vpop (xrf2)  }
0xa0: {  	v59 =	vmov s9;
	s18 =	sor.u32 $0x1, s9;
	v23, _, _ =	vpop (xrf2);
	v22 =	vbroadcast v22, $0xF  }
0xa1: {  	vm0 =	veq.s32 v59, v0;
	v60 =	vmov s18;
	v23 =	vbroadcast v23, $0xF  }
0xa2: {  	s28 =	sor.u32 $0x2, s9;
	vm13 =	veq.s32 v60, v0;
	v62 =	vld [tilespmem:s19+$0x12400];
	v61, _, _ =	vpop (xrf2);
	v22 =	vnsel vm0, $0x0, v22  }
0xa3: {  	s11 =	sadd.s32 $0x100, s11;
	s9 =	sor.u32 $0x3, s9;
	v22 =	vsel vm13, v23, v22;
	v23 =	vmov s28;
	v25 =	vbroadcast v61, $0xF;
	v63, _, _ =	vpop (xrf2)  }
0xa4: {  	p0 =	sne.s32 s11, $0x4000;
	vm14 =	veq.s32 v23, v0;
	v23 =	vmov s9;
	v26 =	vbroadcast v63, $0xF  }
.Ltmp1:
0xa5: {  	v22 =	vsel vm14, v25, v22;
	vm15 =	veq.s32 v23, v0;
	(pc) =	sbr.rel @!p0 .LBB2_5-.Ltmp1, $3  }
0xa6: {  	v22 =	vsel vm15, v26, v22  }
0xa7: {  	v22 =	vadd.f32 v22, v62;
	_ =	sdelay $0x1  }
0xa8: {  	s10 =	sadd.s32 $0x8, s10;
	s8 =	sadd.s32 $0x20, s8;
	[tilespmem:s19+$0x12400] =	vst v22  }
.LBB2_2:
0xa9: {  	s9 =	sadd.s32 $0xFFFFFFF9, s10  }
0xaa: {  	v22 =	vmov s9  }
0xab: {  	v22 =	vand.u32 $0xFFFFFFFC, v22  }
0xac: {  	v22 =	vbroadcast v22, $0x0;
	_ =	sdelay $0x5  }
0xad: {  	v23 =	vld.idx.msk [tilespmem:v22+s4+$0x0], $0xffff  }
0xae: {  	v24 =	vld.idx.msk [tilespmem:v22+s12+$0x0], $0xffff;
	_ =	sdelay $0x3  }
0xaf: {  	(v2sf) =	vpush v23, $0x0  }
0xb0: {  	(v2sf) =	vpush v24, $0x0;
	_ =	sdelay $0xd  }
0xb1: {  	s19 =	spop (v2sf)  }
0xb2: {  	s18 =	sand.u32 $0xFFFFF80, s19;
	s22 =	spop (v2sf)  }
0xb3: {  	s23 =	sadd.s32 $0xFFFFFFFA, s10;
	s18 =	sadd.s32 s1, s18;
	s26 =	sand.u32 $0xFFFFF80, s22  }
0xb4: {  	v23 =	vmov s23;
	[tilespmem:s31], [sflag:$0x2] =	stream.strided.gather [hbm4b:s18+s14], $0x1000, s13, s14, $0x38;
	[tilespmem:$0x12600] =	vst v63  }
0xb5: {  	v23 =	vand.u32 $0xFFFFFFFD, v23;
	s18 =	sadd.s32 s2, s26  }
0xb6: {  	v23 =	vbroadcast v23, $0x0;
	[tilespmem:s0], [sflag:$0x2] =	stream.strided.gather [hbm4b:s18+s14], $0x1000, s13, s14, $0x38;
	[tilespmem:$0x12600] =	vst v63  }
0xb7: {  	s19 =	sshrl.u32 s19, $0x3;
	s18 =	sshra.s32 s11, $0x2  }
0xb8: {  	s19 =	sadd.s32 s3, s19;
	s22 =	sshrl.u32 s22, $0x3;
	s28 =	sadd.s32 $0x10420, s18  }
0xb9: {  	[tilespmem:s28], [sflag:$0x3] =	stream.linear.gather [hbm4b:s19+s4], $0x8, $0x38;
	[tilespmem:$0x12600] =	vst v63  }
0xba: {  	s23 =	sadd.s32 $0x11420, s18;
	s19 =	sadd.s32 s6, s22  }
0xbb: {  	[tilespmem:s23], [sflag:$0x3] =	stream.linear.gather [hbm4b:s19+s4], $0x8, $0x38;
	[tilespmem:$0x12600] =	vst v63  }
0xbc: {  	v24 =	vld.idx.msk [tilespmem:v23+s4+$0x0], $0xffff;
	_ =	sdelay $0x1  }
0xbd: {  	v25 =	vld.idx.msk [tilespmem:v23+s12+$0x0], $0xffff;
	_ =	sdelay $0x2  }
0xbe: {  	(v2sf) =	vpush v24, $0x0;
	_ =	sdelay $0x1  }
0xbf: {  	(v2sf) =	vpush v25, $0x0;
	_ =	sdelay $0xc  }
0xc0: {  	s19 =	spop (v2sf)  }
0xc1: {  	s26 =	sand.u32 $0xFFFFF80, s19  }
0xc2: {  	s23 =	spop (v2sf);
	s22 =	sadd.s32 s1, s26;
	s26 =	sadd.s32 $0xFFFFFFFB, s10  }
0xc3: {  	s28 =	sand.u32 $0xFFFFF80, s23;
	v24 =	vmov s26  }
0xc4: {  	[tilespmem:s5], [sflag:$0x2] =	stream.strided.gather [hbm4b:s22+s14], $0x1000, s13, s14, $0x38;
	v24 =	vand.u32 $0xFFFFFFFE, v24;
	[tilespmem:$0x12600] =	vst v63  }
0xc5: {  	s19 =	sshrl.u32 s19, $0x3;
	s22 =	sadd.s32 s2, s28;
	v24 =	vbroadcast v24, $0x0  }
0xc6: {  	[tilespmem:s20], [sflag:$0x2] =	stream.strided.gather [hbm4b:s22+s14], $0x1000, s13, s14, $0x38;
	[tilespmem:$0x12600] =	vst v63  }
0xc7: {  	s19 =	sadd.s32 s3, s19;
	s28 =	sadd.s32 $0x10428, s18;
	s22 =	sshrl.u32 s23, $0x3  }
0xc8: {  	[tilespmem:s28], [sflag:$0x3] =	stream.linear.gather [hbm4b:s19+s4], $0x8, $0x38;
	[tilespmem:$0x12600] =	vst v63  }
0xc9: {  	s23 =	sadd.s32 $0x11428, s18;
	s19 =	sadd.s32 s6, s22  }
0xca: {  	[tilespmem:s23], [sflag:$0x3] =	stream.linear.gather [hbm4b:s19+s4], $0x8, $0x38;
	[tilespmem:$0x12600] =	vst v63  }
0xcb: {  	v25 =	vld.idx.msk [tilespmem:v24+s4+$0x0], $0xffff  }
0xcc: {  	v26 =	vld.idx.msk [tilespmem:v24+s12+$0x0], $0xffff;
	_ =	sdelay $0x3  }
0xcd: {  	(v2sf) =	vpush v25, $0x0  }
0xce: {  	(v2sf) =	vpush v26, $0x0;
	_ =	sdelay $0xd  }
0xcf: {  	s19 =	spop (v2sf)  }
0xd0: {  	s26 =	sand.u32 $0xFFFFF80, s19;
	s23 =	spop (v2sf)  }
0xd1: {  	s22 =	sadd.s32 s1, s26;
	s28 =	sand.u32 $0xFFFFF80, s23  }
0xd2: {  	[tilespmem:s21], [sflag:$0x2] =	stream.strided.gather [hbm4b:s22+s14], $0x1000, s13, s14, $0x38;
	[tilespmem:$0x12600] =	vst v63  }
0xd3: {  	s19 =	sshrl.u32 s19, $0x3;
	s26 =	sadd.s32 $0xFFFFFFFC, s10;
	s22 =	sadd.s32 s2, s28  }
0xd4: {  	v25 =	vmov s26;
	[tilespmem:s24], [sflag:$0x2] =	stream.strided.gather [hbm4b:s22+s14], $0x1000, s13, s14, $0x38;
	[tilespmem:$0x12600] =	vst v63  }
0xd5: {  	s19 =	sadd.s32 s3, s19;
	s23 =	sshrl.u32 s23, $0x3;
	s28 =	sadd.s32 $0x10430, s18  }
0xd6: {  	[tilespmem:s28], [sflag:$0x3] =	stream.linear.gather [hbm4b:s19+s4], $0x8, $0x38;
	[tilespmem:$0x12600] =	vst v63  }
0xd7: {  	s26 =	sadd.s32 $0x11430, s18;
	s19 =	sadd.s32 s6, s23  }
0xd8: {  	[tilespmem:s26], [sflag:$0x3] =	stream.linear.gather [hbm4b:s19+s4], $0x8, $0x38;
	[tilespmem:$0x12600] =	vst v63  }
0xd9: {  	v26 =	vld.idx.msk [tilespmem:v25+s4+$0x0], $0xffff  }
0xda: {  	v27 =	vld.idx.msk [tilespmem:v25+s12+$0x0], $0xffff;
	_ =	sdelay $0x3  }
0xdb: {  	(v2sf) =	vpush v26, $0x0  }
0xdc: {  	(v2sf) =	vpush v27, $0x0;
	_ =	sdelay $0xd  }
0xdd: {  	s19 =	spop (v2sf)  }
0xde: {  	s28 =	sand.u32 $0xFFFFF80, s19;
	s23 =	spop (v2sf)  }
0xdf: {  	s22 =	sadd.s32 s1, s28;
	s26 =	sand.u32 $0xFFFFF80, s23  }
0xe0: {  	[tilespmem:s25], [sflag:$0x2] =	stream.strided.gather [hbm4b:s22+s14], $0x1000, s13, s14, $0x38;
	[tilespmem:$0x12600] =	vst v63  }
0xe1: {  	s19 =	sshrl.u32 s19, $0x3;
	s22 =	sadd.s32 s2, s26  }
0xe2: {  	[tilespmem:s29], [sflag:$0x2] =	stream.strided.gather [hbm4b:s22+s14], $0x1000, s13, s14, $0x38;
	[tilespmem:$0x12600] =	vst v63  }
0xe3: {  	s28 =	sadd.s32 $0x10438, s18;
	s19 =	sadd.s32 s3, s19  }
0xe4: {  	[tilespmem:s28], [sflag:$0x3] =	stream.linear.gather [hbm4b:s19+s4], $0x8, $0x38;
	[tilespmem:$0x12600] =	vst v63  }
0xe5: {  	s26 =	sshrl.u32 s23, $0x3;
	s19 =	sadd.s32 $0xFFFFFFF5, s10  }
0xe6: {  	s22 =	sadd.s32 s6, s26;
	s28 =	sadd.s32 $0x11438, s18;
	v26 =	vmov s19  }
0xe7: {  	[tilespmem:s28], [sflag:$0x3] =	stream.linear.gather [hbm4b:s22+s4], $0x8, $0x38;
	v26 =	vand.u32 $0xFFFFFFF8, v26;
	[tilespmem:$0x12600] =	vst v63  }
0xe8: {  	_ =	swait.ge [sflag:s30], $0x4000;
	v26 =	vbroadcast v26, $0x0  }
0xe9: {  	s26 =	sadd.s32 $0xFFFFFFF6, s10;
	[sflag:s30] =	ssyncset.done $0x0  }
0xea: {  	v28 =	vmov s26;
	[sflag:s30] =	ssyncadd.s32 $0xFFFFC000  }
0xeb: {  	v28 =	vand.u32 $0xFFFFFFF9, v28;
	_ =	swait.ge [sflag:s30], $0x4000  }
0xec: {  	s23 =	sadd.s32 $0xFFFFFFF8, s10;
	v28 =	vbroadcast v28, $0x0;
	[sflag:s30] =	ssyncset.done $0x0  }
0xed: {  	v32 =	vmov s23;
	[sflag:s30] =	ssyncadd.s32 $0xFFFFC000  }
0xee: {  	v32 =	vand.u32 $0xFFFFFFFB, v32;
	s28 =	sadd.s32 $0xFFFFFFF7, s10;
	v27 =	vld.idx.msk [tilespmem:v26+s4+$0x0], $0xffff  }
0xef: {  	v32 =	vbroadcast v32, $0x0;
	v29 =	vmov s28;
	v26 =	vld.idx.msk [tilespmem:v26+s12+$0x0], $0xffff  }
0xf0: {  	v29 =	vand.u32 $0xFFFFFFFA, v29  }
0xf1: {  	v29 =	vbroadcast v29, $0x0  }
0xf2: {  	v31 =	vld.idx.msk [tilespmem:v28+s4+$0x0], $0xffff  }
0xf3: {  	v28 =	vld.idx.msk [tilespmem:v28+s12+$0x0], $0xffff;
	v27 =	vand.u32 $0x7F, v27  }
0xf4: {  	v26 =	vand.u32 $0x7F, v26;
	v30 =	vor.u32 v1, v27  }
0xf5: {  	v37 =	vld.idx.msk [tilespmem:v32+s4+$0x0], $0xffff;
	v33 =	vor.u32 v1, v26  }
0xf6: {  	v32 =	vld.idx.msk [tilespmem:v32+s12+$0x0], $0xffff;
	v27 =	vor.u32 v6, v27  }
0xf7: {  	v34 =	vld.idx.msk [tilespmem:v29+s4+$0x0], $0xffff;
	v31 =	vand.u32 $0x7F, v31;
	v26 =	vor.u32 v6, v26  }
0xf8: {  	v29 =	vld.idx.msk [tilespmem:v29+s12+$0x0], $0xffff;
	v28 =	vand.u32 $0x7F, v28;
	v35 =	vor.u32 v7, v31  }
0xf9: {  	v36 =	vor.u32 v7, v28;
	v30 =	vld.idx.msk [tilespmem:v30+s14+$0x0], $0xffff  }
0xfa: {  	v31 =	vor.u32 v8, v31;
	v33 =	vld.idx.msk [tilespmem:v33+s15+$0x0], $0xffff  }
0xfb: {  	v37 =	vand.u32 $0x7F, v37;
	v28 =	vor.u32 v8, v28;
	v27 =	vld.idx.msk [tilespmem:v27+s14+$0x0], $0xffff  }
0xfc: {  	v32 =	vand.u32 $0x7F, v32;
	v40 =	vor.u32 v11, v37;
	v26 =	vld.idx.msk [tilespmem:v26+s15+$0x0], $0xffff  }
0xfd: {  	v41 =	vor.u32 v11, v32;
	v35 =	vld.idx.msk [tilespmem:v35+s14+$0x0], $0xffff  }
0xfe: {  	v37 =	vor.u32 v12, v37;
	v34 =	vand.u32 $0x7F, v34;
	v36 =	vld.idx.msk [tilespmem:v36+s15+$0x0], $0xffff  }
0xff: {  	v29 =	vand.u32 $0x7F, v29;
	v38 =	vor.u32 v9, v34;
	v31 =	vld.idx.msk [tilespmem:v31+s14+$0x0], $0xffff  }
0x100: {  	v39 =	vor.u32 v9, v29;
	v28 =	vld.idx.msk [tilespmem:v28+s15+$0x0], $0xffff  }
0x101: {  	v34 =	vor.u32 v10, v34;
	v40 =	vld.idx.msk [tilespmem:v40+s14+$0x0], $0xffff  }
0x102: {  	v29 =	vor.u32 v10, v29;
	v41 =	vld.idx.msk [tilespmem:v41+s15+$0x0], $0xffff  }
0x103: {  	v32 =	vor.u32 v12, v32;
	v37 =	vld.idx.msk [tilespmem:v37+s14+$0x0], $0xffff  }
0x104: {  	v38 =	vld.idx.msk [tilespmem:v38+s14+$0x0], $0xffff  }
0x105: {  	v39 =	vld.idx.msk [tilespmem:v39+s15+$0x0], $0xffff  }
0x106: {  	v34 =	vld.idx.msk [tilespmem:v34+s14+$0x0], $0xffff  }
0x107: {  	v29 =	vld.idx.msk [tilespmem:v29+s15+$0x0], $0xffff  }
0x108: {  	v32 =	vld.idx.msk [tilespmem:v32+s15+$0x0], $0xffff  }
0x109: {  	v30 =	vmul.f32 v33, v30;
	v26 =	vmul.f32 v26, v27  }
0x10a: {  	v27 =	vmul.f32 v36, v35;
	v28 =	vmul.f32 v28, v31  }
0x10b: {  	v26 =	vadd.f32 v26, v30  }
0x10c: {  	v27 =	vadd.f32 v28, v27;
	v57 =	vmul.f32 v39, v38;
	v29 =	vmul.f32 v29, v34  }
0x10d: {  	v58 =	vmul.f32 v32, v37;
	(xrf2) =	vadd.scan.msk.f32 $0xffff, v26;
	v26 =	vmul.f32 v41, v40  }
0x10e: {  	(xrf2) =	vadd.scan.msk.f32 $0xffff, v27;
	v27 =	vadd.f32 v29, v57  }
0x10f: {  	v26 =	vadd.f32 v58, v26  }
0x110: {  	(xrf2) =	vadd.scan.msk.f32 $0xffff, v27  }
0x111: {  	(xrf2) =	vadd.scan.msk.f32 $0xffff, v26;
	_ =	sdelay $0x5  }
0x112: {  	s22 =	sand.u32 $0x8, s19;
	v26, _, _ =	vpop (xrf2)  }
0x113: {  	s26 =	sand.u32 $0x7C0, s8;
	v59 =	vmov s22;
	s19 =	sor.u32 $0x1, s22;
	v27, _, _ =	vpop (xrf2);
	v26 =	vbroadcast v26, $0xF  }
0x114: {  	vm0 =	veq.s32 v59, v0;
	v60 =	vmov s19;
	s19 =	sshrl.u32 s26, $0x2;
	v27 =	vbroadcast v27, $0xF  }
0x115: {  	s28 =	sor.u32 $0x2, s22;
	vm13 =	veq.s32 v60, v0;
	v62 =	vld [tilespmem:s19+$0x12400];
	v61, _, _ =	vpop (xrf2);
	v26 =	vnsel vm0, $0x0, v26  }
0x116: {  	s22 =	sor.u32 $0x3, s22;
	v26 =	vsel vm13, v27, v26;
	v27 =	vmov s28;
	v29 =	vbroadcast v61, $0xF;
	v63, _, _ =	vpop (xrf2)  }
0x117: {  	p0 =	seq.s32 s11, $0x3F00;
	vm14 =	veq.s32 v27, v0;
	v27 =	vmov s22;
	v30 =	vbroadcast v63, $0xF  }
.Ltmp2:
0x118: {  	v26 =	vsel vm14, v29, v26;
	vm15 =	veq.s32 v27, v0;
	(pc) =	sbr.rel @p0 .LBB2_4-.Ltmp2, $3  }
0x119: {  	v26 =	vsel vm15, v30, v26  }
0x11a: {  	v26 =	vadd.f32 v26, v62;
	_ =	sdelay $0x1  }
0x11b: {  	[tilespmem:s19+$0x12400] =	vst v26  }
0x11c: {  	s22 =	sadd.s32 $0xFFFFFFFD, s10  }
0x11d: {  	v26 =	vmov s22  }
0x11e: {  	v26 =	vand.u32 $0xFFFFFFF8, v26  }
0x11f: {  	v26 =	vbroadcast v26, $0x0;
	_ =	sdelay $0x5  }
0x120: {  	v27 =	vld.idx.msk [tilespmem:v26+s4+$0x0], $0xffff;
	_ =	sdelay $0x1  }
0x121: {  	v26 =	vld.idx.msk [tilespmem:v26+s12+$0x0], $0xffff;
	_ =	sdelay $0x2  }
0x122: {  	(v2sf) =	vpush v27, $0x0;
	_ =	sdelay $0x1  }
0x123: {  	(v2sf) =	vpush v26, $0x0;
	_ =	sdelay $0xc  }
0x124: {  	s22 =	spop (v2sf)  }
0x125: {  	s23 =	sand.u32 $0xFFFFF80, s22  }
0x126: {  	s28 =	sadd.s32 $0xFFFFFFFE, s10;
	s26 =	spop (v2sf);
	s23 =	sadd.s32 s1, s23  }
0x127: {  	v26 =	vmov s28;
	[tilespmem:s14], [sflag:$0x1] =	stream.strided.gather [hbm4b:s23+s14], $0x1000, s13, s14, $0x38;
	[tilespmem:$0x12600] =	vst v63  }
0x128: {  	v26 =	vand.u32 $0xFFFFFFF9, v26;
	s23 =	sand.u32 $0xFFFFF80, s26  }
0x129: {  	v26 =	vbroadcast v26, $0x0;
	s22 =	sshrl.u32 s22, $0x3;
	s23 =	sadd.s32 s2, s23  }
0x12a: {  	[tilespmem:s15], [sflag:$0x1] =	stream.strided.gather [hbm4b:s23+s14], $0x1000, s13, s14, $0x38;
	[tilespmem:$0x12600] =	vst v63  }
0x12b: {  	s28 =	sadd.s32 $0x10440, s18;
	s22 =	sadd.s32 s3, s22;
	s23 =	sshrl.u32 s26, $0x3  }
0x12c: {  	[tilespmem:s28], [sflag:$0x3] =	stream.linear.gather [hbm4b:s22+s4], $0x8, $0x38;
	[tilespmem:$0x12600] =	vst v63  }
0x12d: {  	s26 =	sadd.s32 $0x11440, s18;
	s22 =	sadd.s32 s6, s23  }
0x12e: {  	[tilespmem:s26], [sflag:$0x3] =	stream.linear.gather [hbm4b:s22+s4], $0x8, $0x38;
	[tilespmem:$0x12600] =	vst v63  }
0x12f: {  	v27 =	vld.idx.msk [tilespmem:v26+s4+$0x0], $0xffff;
	_ =	sdelay $0x4  }
0x130: {  	v26 =	vld.idx.msk [tilespmem:v26+s12+$0x0], $0xffff;
	(v2sf) =	vpush v27, $0x0;
	_ =	sdelay $0x4  }
0x131: {  	(v2sf) =	vpush v26, $0x0;
	_ =	sdelay $0x9  }
0x132: {  	s22 =	spop (v2sf)  }
0x133: {  	s28 =	sand.u32 $0xFFFFF80, s22  }
0x134: {  	s23 =	sadd.s32 s1, s28;
	s28 =	simm.s32 $0x1400  }
0x135: {  	[tilespmem:s28], [sflag:$0x1] =	stream.strided.gather [hbm4b:s23+s14], $0x1000, s13, s14, $0x38;
	[tilespmem:$0x12600] =	vst v63  }
0x136: {  	s28 =	sadd.s32 $0xFFFFFFFF, s10  }
0x137: {  	s26 =	spop (v2sf);
	v26 =	vmov s28  }
0x138: {  	s23 =	sand.u32 $0xFFFFF80, s26;
	v26 =	vand.u32 $0xFFFFFFFA, v26  }
0x139: {  	s22 =	sshrl.u32 s22, $0x3;
	s23 =	sadd.s32 s2, s23;
	s28 =	simm.s32 $0x9400;
	v26 =	vbroadcast v26, $0x0  }
0x13a: {  	[tilespmem:s28], [sflag:$0x1] =	stream.strided.gather [hbm4b:s23+s14], $0x1000, s13, s14, $0x38;
	[tilespmem:$0x12600] =	vst v63  }
0x13b: {  	s22 =	sadd.s32 s3, s22;
	s28 =	sadd.s32 $0x10448, s18;
	s23 =	sshrl.u32 s26, $0x3  }
0x13c: {  	[tilespmem:s28], [sflag:$0x3] =	stream.linear.gather [hbm4b:s22+s4], $0x8, $0x38;
	[tilespmem:$0x12600] =	vst v63  }
0x13d: {  	s26 =	sadd.s32 $0x11448, s18;
	s22 =	sadd.s32 s6, s23  }
0x13e: {  	[tilespmem:s26], [sflag:$0x3] =	stream.linear.gather [hbm4b:s22+s4], $0x8, $0x38;
	[tilespmem:$0x12600] =	vst v63  }
0x13f: {  	v27 =	vld.idx.msk [tilespmem:v26+s4+$0x0], $0xffff;
	_ =	sdelay $0x1  }
0x140: {  	v26 =	vld.idx.msk [tilespmem:v26+s12+$0x0], $0xffff;
	_ =	sdelay $0x2  }
0x141: {  	(v2sf) =	vpush v27, $0x0;
	_ =	sdelay $0x1  }
0x142: {  	(v2sf) =	vpush v26, $0x0;
	_ =	sdelay $0xc  }
0x143: {  	s22 =	spop (v2sf)  }
0x144: {  	s28 =	sand.u32 $0xFFFFF80, s22  }
0x145: {  	s26 =	spop (v2sf);
	s23 =	sadd.s32 s1, s28;
	s28 =	simm.s32 $0x2400  }
0x146: {  	v26 =	vmov s10;
	[tilespmem:s28], [sflag:$0x1] =	stream.strided.gather [hbm4b:s23+s14], $0x1000, s13, s14, $0x38;
	[tilespmem:$0x12600] =	vst v63  }
0x147: {  	v26 =	vand.u32 $0xFFFFFFFB, v26;
	s28 =	sand.u32 $0xFFFFF80, s26  }
0x148: {  	v26 =	vbroadcast v26, $0x0;
	s22 =	sshrl.u32 s22, $0x3;
	s23 =	sadd.s32 s2, s28;
	s28 =	simm.s32 $0xA400  }
0x149: {  	[tilespmem:s28], [sflag:$0x1] =	stream.strided.gather [hbm4b:s23+s14], $0x1000, s13, s14, $0x38;
	[tilespmem:$0x12600] =	vst v63  }
0x14a: {  	s22 =	sadd.s32 s3, s22;
	s28 =	sadd.s32 $0x10450, s18;
	s23 =	sshrl.u32 s26, $0x3  }
0x14b: {  	[tilespmem:s28], [sflag:$0x3] =	stream.linear.gather [hbm4b:s22+s4], $0x8, $0x38;
	[tilespmem:$0x12600] =	vst v63  }
0x14c: {  	s26 =	sadd.s32 $0x11450, s18;
	s22 =	sadd.s32 s6, s23  }
0x14d: {  	[tilespmem:s26], [sflag:$0x3] =	stream.linear.gather [hbm4b:s22+s4], $0x8, $0x38;
	[tilespmem:$0x12600] =	vst v63  }
0x14e: {  	v27 =	vld.idx.msk [tilespmem:v26+s4+$0x0], $0xffff;
	_ =	sdelay $0x1  }
0x14f: {  	v26 =	vld.idx.msk [tilespmem:v26+s12+$0x0], $0xffff;
	_ =	sdelay $0x2  }
0x150: {  	(v2sf) =	vpush v27, $0x0;
	_ =	sdelay $0x1  }
0x151: {  	(v2sf) =	vpush v26, $0x0;
	_ =	sdelay $0xc  }
0x152: {  	s22 =	spop (v2sf)  }
0x153: {  	s28 =	sand.u32 $0xFFFFF80, s22  }
0x154: {  	s26 =	spop (v2sf);
	s23 =	sadd.s32 s1, s28;
	s28 =	simm.s32 $0x3400  }
0x155: {  	[tilespmem:s28], [sflag:$0x1] =	stream.strided.gather [hbm4b:s23+s14], $0x1000, s13, s14, $0x38;
	[tilespmem:$0x12600] =	vst v63  }
0x156: {  	s28 =	sand.u32 $0xFFFFF80, s26  }
0x157: {  	s23 =	sadd.s32 s2, s28;
	s28 =	simm.s32 $0xB400  }
0x158: {  	[tilespmem:s28], [sflag:$0x1] =	stream.strided.gather [hbm4b:s23+s14], $0x1000, s13, s14, $0x38;
	[tilespmem:$0x12600] =	vst v63  }
.Ltmp3:
0x159: {  	s22 =	sshrl.u32 s22, $0x3;
	(pc) =	sbr.rel .LBB2_4-.Ltmp3, $4  }
0x15a: {  	s22 =	sadd.s32 s3, s22;
	s26 =	sshrl.u32 s26, $0x3;
	s28 =	sadd.s32 $0x10458, s18  }
0x15b: {  	[tilespmem:s28], [sflag:$0x3] =	stream.linear.gather [hbm4b:s22+s4], $0x8, $0x38;
	[tilespmem:$0x12600] =	vst v63  }
0x15c: {  	s28 =	sadd.s32 $0x11458, s18;
	s22 =	sadd.s32 s6, s26  }
0x15d: {  	[tilespmem:s28], [sflag:$0x3] =	stream.linear.gather [hbm4b:s22+s4], $0x8, $0x38;
	[tilespmem:$0x12600] =	vst v63  }
.LBB2_5:
0x15e: {  	s8 =	simm.s32 $0x3  }
0x15f: {  	_ =	swait.ge [sflag:s8], $0x1000  }
0x160: {  	[sflag:s8] =	ssyncset.done $0x0  }
0x161: {  	[sflag:s8] =	ssyncadd.s32 $0xFFFFF000  }
0x162: {  	_ =	swait.ge [sflag:s8], $0x1000  }
0x163: {  	[sflag:s8] =	ssyncset.done $0x0  }
0x164: {  	s28 =	simm.s32 $0x0;
	[sflag:s8] =	ssyncadd.s32 $0xFFFFF000  }
0x165: {  	v22 =	vld [tilespmem:s28+$0x0]  }
0x166: {  	s9 =	simm.s32 $0x200  }
0x167: {  	v23 =	vld [tilespmem:s9+$0x0]  }
0x168: {  	v24 =	vmov s28  }
0x169: {  	v24 =	vshll.u32 v24, $0x3  }
0x16a: {  	v24 =	vor.u32 v21, v24;
	v22 =	vand.u32 $0x7, v22  }
0x16b: {  	v22 =	vor.u32 v24, v22  }
0x16c: {  	v23 =	vand.u32 $0x7, v23  }
0x16d: {  	v23 =	vor.u32 v24, v23  }
0x16e: {  	s8 =	simm.s32 $0x12400  }
0x16f: {  	v63 =	vld [tilespmem:s8+$0x0]  }
0x170: {  	v22 =	vld.idx.msk [tilespmem:v22+s16+$0x0], $0xffff;
	_ =	sdelay $0x1  }
0x171: {  	v23 =	vld.idx.msk [tilespmem:v23+s17+$0x0], $0xffff;
	_ =	sdelay $0x2  }
0x172: {  	v22 =	vadd.f32 v63, v22;
	_ =	sdelay $0x1  }
0x173: {  	v22 =	vadd.f32 v22, v23;
	_ =	sdelay $0x1  }
0x174: {  	s10 =	simm.s32 $0x10;
	[tilespmem:s8+$0x0] =	vst v22  }
0x175: {  	s11 =	simm.s32 $0x20;
	s18 =	simm.s32 $0x10;
	v22 =	vld [tilespmem:s10+$0x0]  }
.LBB2_6:
0x176: {  	p0 =	sne.s32 s11, $0x1F0;
	s9 =	sadd.s32 $0x10, s9  }
0x177: {  	v23 =	vld [tilespmem:s9+$0x0]  }
0x178: {  	v24 =	vmov s10;
	s10 =	smov.u32 s11  }
0x179: {  	v24 =	vshll.u32 v24, $0x3  }
0x17a: {  	v24 =	vor.u32 v21, v24;
	v22 =	vand.u32 $0x7, v22  }
0x17b: {  	v22 =	vor.u32 v24, v22  }
0x17c: {  	v23 =	vand.u32 $0x7, v23  }
0x17d: {  	v23 =	vor.u32 v24, v23;
	_ =	sdelay $0x2  }
0x17e: {  	s8 =	sadd.s32 $0x10, s8;
	v22 =	vld.idx.msk [tilespmem:v22+s16+$0x0], $0xffff  }
0x17f: {  	v24 =	vld [tilespmem:s8+$0x0]  }
0x180: {  	v23 =	vld.idx.msk [tilespmem:v23+s17+$0x0], $0xffff;
	_ =	sdelay $0x3  }
0x181: {  	v22 =	vadd.f32 v24, v22  }
.Ltmp4:
0x182: {  	(pc) =	sbr.rel @p0 .LBB2_6-.Ltmp4, $3  }
0x183: {  	v22 =	vadd.f32 v22, v23;
	_ =	sdelay $0x1  }
0x184: {  	s18 =	sadd.s32 $0x10, s18;
	[tilespmem:s8+$0x0] =	vst v22  }
0x185: {  	s11 =	sadd.s32 $0x10, s11;
	v22 =	vld [tilespmem:s18+$0x0]  }
0x186: {  	s9 =	sadd.s32 $0x10, s9  }
0x187: {  	v23 =	vld [tilespmem:s9+$0x0]  }
0x188: {  	v24 =	vmov s10  }
0x189: {  	v24 =	vshll.u32 v24, $0x3  }
0x18a: {  	v24 =	vor.u32 v21, v24;
	v22 =	vand.u32 $0x7, v22  }
0x18b: {  	v22 =	vor.u32 v24, v22  }
0x18c: {  	v23 =	vand.u32 $0x7, v23  }
0x18d: {  	v23 =	vor.u32 v24, v23  }
0x18e: {  	s8 =	sadd.s32 $0x10, s8  }
0x18f: {  	v63 =	vld [tilespmem:s8+$0x0]  }
0x190: {  	v22 =	vld.idx.msk [tilespmem:v22+s16+$0x0], $0xffff;
	_ =	sdelay $0x1  }
0x191: {  	v23 =	vld.idx.msk [tilespmem:v23+s17+$0x0], $0xffff;
	_ =	sdelay $0x2  }
0x192: {  	v22 =	vadd.f32 v63, v22;
	_ =	sdelay $0x1  }
0x193: {  	v22 =	vadd.f32 v22, v23;
	_ =	sdelay $0x1  }
0x194: {  	s22 =	rddreg [dreg:$0x9];
	s23 =	simm.s32 $0x12400;
	s9 =	simm.s32 $0x4;
	[tilespmem:s8+$0x0] =	vst v22  }
0x195: {  	[hbm4b:s22+s4] =	stream.linear.scatter [tilespmem:s23], [sflag:$0x4], $0x200, $0x38;
	[tilespmem:$0x12600] =	vst v63  }
0x196: {  	_ =	swait.ge [sflag:s9], $0x200  }
0x197: {  	s26 =	rddreg [dreg:$0xb]  }
0x198: {  	s28 =	rddreg [dreg:$0xa];
	s10 =	sadd.s32 $0x1, s26  }
0x199: {  	p0 =	sne.s32 s10, s28  }
.Ltmp5:
0x19a: {  	_ = 	snop;
	(pc) =	sbr.rel @p0 .LBB2_1-.Ltmp5, $3  }
0x19b: {  	_ =	sdelay $0x1  }
0x19c: {  	[sflag:s9] =	ssyncset.done $0x0  }
0x19d: {  	[sflag:s9] =	ssyncadd.s32 $0xFFFFFE00  }
0x19e: {  	_ =	sfence.sel $0x180000  }
0x19f: {  	[bflag:$0x0] =	sbarrier.arrive $0xFFFF  }
0x1a0: {  	_ =	strace $0x90000047  }
0x1a1: {  	s0 =	stileid.u32;
	[bflag:$0x2] =	sbarrier.arrive $0xFFFF  }
0x1a2: {  	p0 =	sne.s32 s0, $0x0;
	s0 =	rddreg [dreg:$0x6]  }
0x1a3: {  	s0 =	sadd.s32 @!p0 $0x100000, s0  }
0x1a4: {  	[sflag:s0] =	ssyncadd.tile.s32 @!p0 $0x1;
	_ =	shalt  }
.Lfunc_end2:
_tile_overlayer_lowered:
.L_overlay_start_2:
0x1a5: {  	(tag) =	ssettag $0x2  }
0x1a6: {  	s0 =	rddreg [dreg:$0x0];
	s2 =	stileid.u32  }
0x1a7: {  	s1 =	rddreg [dreg:$0x1];
	p0 =	sne.s32 s2, $0x0  }
0x1a8: {  	s3 =	rddreg [dreg:$0x2];
	[bflag:$0x3] =	sbarrier.arrive $0xFFFF;
	s2 =	simm.s32 @!p0 $0x1C04  }
0x1a9: {  	[timem:s3], [sflag:s2] =	dma.local @!p0 [hbm:s0], s1  }
0x1aa: {  	s0 =	simm.s32 @!p0 $0x4  }
0x1ab: {  	_ =	swait.ge @!p0 [sflag:s0], s1  }
0x1ac: {  	s1 =	ssub.s32 @!p0 $0x0, s1;
	[sflag:s0] =	ssyncset.done @!p0 $0x0  }
0x1ad: {  	[sflag:s0] =	ssyncadd.s32 @!p0 s1  }
0x1ae: {  	[bflag:$0x3] =	sbarrier.arrive $0xFFFF  }
0x1af: {  	_ =	shalt  }

</sc_bundles>
